<compile_context>
chip_gen: v7x
topology: tpu7x:2x2x1
jax: 0.10.2.dev20260603
libtpu: 0.0.44.dev20260713+nightly
codegen_flags: <defaults>
</compile_context>

<pallas_src>
import functools

import jax
import jax.numpy as jnp
from jax import lax
from jax.experimental import pallas as pl
from jax.experimental.pallas import tpu as pltpu
from jax.experimental.pallas import tpu_sc as plsc

N = 100000
K = 16
D = 128
PRE = 32

NB = 2000
NW = 32
CH = 128
NCHUNKS = -(-N // CH)
NPAD = NCHUNKS * CH
MAXC = NCHUNKS // NW + 1
IDXROWS = (NCHUNKS - 1) * K + MAXC * K


def _elu(v):
    return jnp.where(v > 0, v, jnp.exp(jnp.minimum(v, 0.0)) - 1.0)


def _stage1_body(x_ref, wpre_ref, bpre_ref, w0c_ref, xn_ref,
                 y0_ref, y1_ref, y2_ref, y3_ref):
    x = x_ref[...]
    xn = _elu(jnp.dot(x, wpre_ref[...], preferred_element_type=jnp.float32)
              + bpre_ref[...])
    xn_ref[...] = xn
    y = jnp.dot(xn, w0c_ref[...], preferred_element_type=jnp.float32)
    y0_ref[...] = y[:, 0:128]
    y1_ref[...] = y[:, 128:256]
    y2_ref[...] = y[:, 256:384]
    y3_ref[...] = y[:, 384:512]


def _self_mlp_body(x_ref, ws0_ref, bs0_ref, ws1_ref, bs1_ref, ws2_ref,
                   bs2_ref, s_ref):
    x = x_ref[...]
    s = _elu(jnp.dot(x, ws0_ref[...], preferred_element_type=jnp.float32)
             + bs0_ref[...])
    s = _elu(jnp.dot(s, ws1_ref[...], preferred_element_type=jnp.float32)
             + bs1_ref[...])
    s_ref[...] = (jnp.dot(s, ws2_ref[...], preferred_element_type=jnp.float32)
                  + bs2_ref[...])


def _stage3_body(xn_ref, g_ref, dist_ref, s_ref, w0s_ref, wd_ref, be0_ref,
                 we1_ref, be1_ref, we2_ref, be2_ref, o_ref):
    h = (jnp.dot(xn_ref[...], w0s_ref[...], preferred_element_type=jnp.float32)
         - g_ref[:, :32]
         + jnp.dot(dist_ref[...], wd_ref[...], preferred_element_type=jnp.float32)
         + be0_ref[...])
    h = _elu(h)
    h = _elu(jnp.dot(h, we1_ref[...], preferred_element_type=jnp.float32)
             + be1_ref[...])
    h = jnp.dot(h, we2_ref[...], preferred_element_type=jnp.float32) + be2_ref[...]
    logits = jnp.concatenate([s_ref[...], h], axis=1)
    m = jnp.max(logits, axis=1, keepdims=True)
    e = jnp.exp(logits - m)
    o_ref[...] = e / jnp.sum(e, axis=1, keepdims=True)


def _sc_gather_reduce(tab0, tab1, tab2, tab3, idx_hbm, out_hbm,
                      idx_v, acc0, acc1,
                      gsem0, gsem1, osem0, osem1):
    wid = lax.axis_index("s") * 2 + lax.axis_index("c")
    lo = (wid * NCHUNKS) // NW
    hi = ((wid + 1) * NCHUNKS) // NW
    cnt = hi - lo

    accs = (acc0, acc1)
    gsem = (gsem0, gsem1)
    osem = (osem0, osem1)
    zvec = jnp.zeros((16,), jnp.float32)
    tail_rows = N - (NCHUNKS - 1) * CH

    def zero_acc(a):
        def zrow(r, rc):
            a[r, pl.ds(0, 16)] = zvec
            a[r, pl.ds(16, 16)] = zvec
            return rc
        lax.fori_loop(0, CH, zrow, 0)

    tabs = (tab0, tab1, tab2, tab3)

    def fire16(cl, a, sem):
        for k in range(K):
            pltpu.async_copy(tabs[k // 4].at[idx_v.at[cl * K + k]], a, sem,
                             add=True)

    def wait16(sem):
        for _ in range(K):
            pltpu.make_async_copy(tab0.at[pl.ds(0, CH)],
                                  accs[0], sem).wait()

    def writeback(c, a, sem):
        @pl.when(c == NCHUNKS - 1)
        def _tail():
            pltpu.async_copy(a.at[pl.ds(0, tail_rows)],
                             out_hbm.at[pl.ds((NCHUNKS - 1) * CH, tail_rows),
                                        pl.ds(0, PRE)], sem)

        @pl.when(c != NCHUNKS - 1)
        def _full():
            pltpu.async_copy(a, out_hbm.at[pl.ds(c * CH, CH), pl.ds(0, PRE)],
                             sem)

    pltpu.sync_copy(idx_hbm.at[pl.ds(lo * K, MAXC * K)], idx_v)
    zero_acc(acc0)
    fire16(0, acc0, gsem0)

    def pair(p, carry):
        for b in range(2):
            cl = p * 2 + b

            @pl.when(cl < cnt)
            def _process():
                @pl.when(cl + 1 < cnt)
                def _prep_next():
                    @pl.when(cl >= 1)
                    def _reclaim():
                        pltpu.make_async_copy(
                            accs[1 - b],
                            out_hbm.at[pl.ds(0, CH), pl.ds(0, PRE)],
                            osem[1 - b]).wait()
                    zero_acc(accs[1 - b])
                    fire16(cl + 1, accs[1 - b], gsem[1 - b])

                wait16(gsem[b])
                writeback(lo + cl, accs[b], osem[b])
        return carry

    lax.fori_loop(0, (MAXC + 1) // 2, pair, 0)

    def drain(b):
        is_tail = (hi == NCHUNKS) & (((cnt - 1) % 2) == b)

        @pl.when(is_tail)
        def _tail():
            pltpu.make_async_copy(
                accs[b].at[pl.ds(0, tail_rows)],
                out_hbm.at[pl.ds(0, tail_rows), pl.ds(0, PRE)],
                osem[b]).wait()

        @pl.when(jnp.logical_not(is_tail))
        def _full():
            pltpu.make_async_copy(
                accs[b], out_hbm.at[pl.ds(0, CH), pl.ds(0, PRE)],
                osem[b]).wait()

    drain(0)
    drain(1)


@jax.jit
def _sc_gather(tab0, tab1, tab2, tab3, idxm):
    mesh = plsc.VectorSubcoreMesh(core_axis_name="c", subcore_axis_name="s")
    run = functools.partial(
        pl.kernel,
        mesh=mesh,
        out_type=jax.ShapeDtypeStruct((N, 128), jnp.float32),
        scratch_types=[
            pltpu.VMEM((MAXC * K, CH), jnp.int32),
            pltpu.VMEM((CH, PRE), jnp.float32),
            pltpu.VMEM((CH, PRE), jnp.float32),
            pltpu.SemaphoreType.DMA,
            pltpu.SemaphoreType.DMA,
            pltpu.SemaphoreType.DMA,
            pltpu.SemaphoreType.DMA,
        ],
        compiler_params=pltpu.CompilerParams(use_tc_tiling_on_sc=False),
    )(_sc_gather_reduce)
    return run(tab0, tab1, tab2, tab3, idxm)


def kernel(x, nidx_down, distsq_down, W_pre, b_pre, W_e0, b_e0, W_e1, b_e1,
           W_e2, b_e2, W_s0, b_s0, W_s1, b_s1, W_s2, b_s2):
    W0 = W_e0.reshape(K, PRE + 1, PRE)
    W0k = W0[:, :PRE, :]
    Wd = W0[:, PRE, :]
    W0sum = W0k.sum(0)
    W0c = jnp.transpose(W0k, (1, 0, 2)).reshape(PRE, K * PRE)

    nidxp = jnp.pad(nidx_down, ((0, NPAD - N), (0, 0)))
    idxm = (nidxp.reshape(NCHUNKS, CH, K) * 4
            + (jnp.arange(K, dtype=jnp.int32) % 4)).transpose(0, 2, 1)
    idxm = jnp.pad(idxm.reshape(NCHUNKS * K, CH),
                   ((0, IDXROWS - NCHUNKS * K), (0, 0)))

    nb = N // NB
    xn, Y0, Y1, Y2, Y3 = pl.pallas_call(
        _stage1_body,
        grid=(nb,),
        in_specs=[
            pl.BlockSpec((NB, D), lambda i: (i, 0)),
            pl.BlockSpec((D, PRE), lambda i: (0, 0)),
            pl.BlockSpec((1, PRE), lambda i: (0, 0)),
            pl.BlockSpec((PRE, K * PRE), lambda i: (0, 0)),
        ],
        out_specs=[
            pl.BlockSpec((NB, PRE), lambda i: (i, 0)),
            pl.BlockSpec((NB, 128), lambda i: (i, 0)),
            pl.BlockSpec((NB, 128), lambda i: (i, 0)),
            pl.BlockSpec((NB, 128), lambda i: (i, 0)),
            pl.BlockSpec((NB, 128), lambda i: (i, 0)),
        ],
        out_shape=[
            jax.ShapeDtypeStruct((N, PRE), jnp.float32),
            jax.ShapeDtypeStruct((N, 128), jnp.float32),
            jax.ShapeDtypeStruct((N, 128), jnp.float32),
            jax.ShapeDtypeStruct((N, 128), jnp.float32),
            jax.ShapeDtypeStruct((N, 128), jnp.float32),
        ],
    )(x, W_pre, b_pre.reshape(1, PRE), W0c)

    G = _sc_gather(Y0.reshape(N * 4, PRE), Y1.reshape(N * 4, PRE),
                   Y2.reshape(N * 4, PRE), Y3.reshape(N * 4, PRE), idxm)

    s = pl.pallas_call(
        _self_mlp_body,
        grid=(nb,),
        in_specs=[
            pl.BlockSpec((NB, D), lambda i: (i, 0)),
            pl.BlockSpec((D, 32), lambda i: (0, 0)),
            pl.BlockSpec((1, 32), lambda i: (0, 0)),
            pl.BlockSpec((32, 32), lambda i: (0, 0)),
            pl.BlockSpec((1, 32), lambda i: (0, 0)),
            pl.BlockSpec((32, 1), lambda i: (0, 0)),
            pl.BlockSpec((1, 1), lambda i: (0, 0)),
        ],
        out_specs=pl.BlockSpec((NB, 1), lambda i: (i, 0)),
        out_shape=jax.ShapeDtypeStruct((N, 1), jnp.float32),
    )(x, W_s0, b_s0.reshape(1, 32), W_s1, b_s1.reshape(1, 32),
      W_s2, b_s2.reshape(1, 1))

    out = pl.pallas_call(
        _stage3_body,
        grid=(nb,),
        in_specs=[
            pl.BlockSpec((NB, PRE), lambda i: (i, 0)),
            pl.BlockSpec((NB, 128), lambda i: (i, 0)),
            pl.BlockSpec((NB, K), lambda i: (i, 0)),
            pl.BlockSpec((NB, 1), lambda i: (i, 0)),
            pl.BlockSpec((PRE, 32), lambda i: (0, 0)),
            pl.BlockSpec((K, 32), lambda i: (0, 0)),
            pl.BlockSpec((1, 32), lambda i: (0, 0)),
            pl.BlockSpec((32, 32), lambda i: (0, 0)),
            pl.BlockSpec((1, 32), lambda i: (0, 0)),
            pl.BlockSpec((32, K), lambda i: (0, 0)),
            pl.BlockSpec((1, K), lambda i: (0, 0)),
        ],
        out_specs=pl.BlockSpec((NB, 1 + K), lambda i: (i, 0)),
        out_shape=jax.ShapeDtypeStruct((N, 1 + K), jnp.float32),
    )(xn, G, distsq_down, s, W0sum, Wd, b_e0.reshape(1, 32),
      W_e1, b_e1.reshape(1, 32), W_e2, b_e2.reshape(1, K))
    return out

# --- scband reference (transcript-rebuilt; emitter-appended) ---
"""Pipeline reference for scband-create-graph-condensation-edges-23562190586025 (READ-ONLY COPY).

The authoritative reference and input builder live on the scoring server;
editing this copy changes nothing except your own understanding.
"""

import jax, jax.numpy as jnp
import numpy as np

N = 100000
K = 16
D = 128
PRE = 32


def _dense_params(key, din, dout):
    k1, _ = jax.random.split(key)
    W = jax.random.normal(k1, (din, dout), dtype=jnp.float32) * (1.0 / np.sqrt(din))
    b = jnp.zeros((dout,), dtype=jnp.float32)
    return W, b


def setup_inputs(seed: int = 0) -> dict:
    key = jax.random.key(seed)
    ks = jax.random.split(key, 10)
    x = jax.random.normal(ks[0], (N, D), dtype=jnp.float32)
    nidx_down = jax.random.randint(ks[1], (N, K), 0, N, dtype=jnp.int32)
    distsq_down = jax.random.uniform(ks[2], (N, K), dtype=jnp.float32)
    W_pre, b_pre = _dense_params(ks[3], D, PRE)
    W_e0, b_e0 = _dense_params(ks[4], K * (PRE + 1), 32)
    W_e1, b_e1 = _dense_params(ks[5], 32, 32)
    W_e2, b_e2 = _dense_params(ks[6], 32, K)
    W_s0, b_s0 = _dense_params(ks[7], D, 32)
    W_s1, b_s1 = _dense_params(ks[8], 32, 32)
    W_s2, b_s2 = _dense_params(ks[9], 32, 1)
    return {"x": x, "nidx_down": nidx_down, "distsq_down": distsq_down,
            "W_pre": W_pre, "b_pre": b_pre,
            "W_e0": W_e0, "b_e0": b_e0, "W_e1": W_e1, "b_e1": b_e1,
            "W_e2": W_e2, "b_e2": b_e2,
            "W_s0": W_s0, "b_s0": b_s0, "W_s1": W_s1, "b_s1": b_s1,
            "W_s2": W_s2, "b_s2": b_s2}


def _select(nidx, feat):
    # gather neighbor features; entries with nidx < 0 are padded with 0.0
    g = jnp.take(feat, jnp.clip(nidx, 0, feat.shape[0] - 1), axis=0)
    return jnp.where((nidx >= 0)[:, :, None], g, 0.0)


def reference(x, nidx_down, distsq_down,
              W_pre, b_pre, W_e0, b_e0, W_e1, b_e1, W_e2, b_e2,
              W_s0, b_s0, W_s1, b_s1, W_s2, b_s2):
    # pre_dense (elu)
    x_n = jax.nn.elu(x @ W_pre + b_pre)
    # neighbor gather and edge feature construction
    gathered = _select(nidx_down, x_n)
    x_e = x_n[:, None, :] - gathered
    x_e = jnp.concatenate([x_e, distsq_down[:, :, None]], axis=2)
    x_e = x_e.reshape(x_e.shape[0], x_e.shape[1] * x_e.shape[2])
    # edge_dense stack: elu, elu, linear -> K logits
    h = jax.nn.elu(x_e @ W_e0 + b_e0)
    h = jax.nn.elu(h @ W_e1 + b_e1)
    h = h @ W_e2 + b_e2
    # self_dense stack: elu, elu, linear -> 1 logit
    s = jax.nn.elu(x @ W_s0 + b_s0)
    s = jax.nn.elu(s @ W_s1 + b_s1)
    s = s @ W_s2 + b_s2
    out = jnp.concatenate([s, h], axis=1)
    return jax.nn.softmax(out, axis=1)

if __name__ == "__main__":
    import jax
    _d = setup_inputs()
    print(jax.jit(kernel)(*tuple(_d.values())))

</pallas_src>

<mosaic_0001>
#map = affine_map<(d0, d1) -> (0, 0)>
module attributes {stable_mosaic.version = 14 : i64} {
  func.func @_sc_gather_reduce(%arg0: i32, %arg1: i32, %arg2: memref<400000x32xf32, #tpu.memory_space<hbm>>, %arg3: memref<400000x32xf32, #tpu.memory_space<hbm>>, %arg4: memref<400000x32xf32, #tpu.memory_space<hbm>>, %arg5: memref<400000x32xf32, #tpu.memory_space<hbm>>, %arg6: memref<12896x128xi32, #tpu.memory_space<hbm>>, %arg7: memref<100000x128xf32, #tpu.memory_space<hbm>>, %arg8: memref<400x128xi32, #tpu.memory_space<vmem>>, %arg9: memref<128x32xf32, #tpu.memory_space<vmem>>, %arg10: memref<128x32xf32, #tpu.memory_space<vmem>>, %arg11: memref<!tpu.dma_semaphore, #tpu.memory_space<semaphore_mem>>, %arg12: memref<!tpu.dma_semaphore, #tpu.memory_space<semaphore_mem>>, %arg13: memref<!tpu.dma_semaphore, #tpu.memory_space<semaphore_mem>>, %arg14: memref<!tpu.dma_semaphore, #tpu.memory_space<semaphore_mem>>) attributes {dimension_semantics = [#tpu.dimension_semantics<core_parallel>, #tpu.dimension_semantics<subcore_parallel>], iteration_bounds = array<i64: 2, 16>, scalar_prefetch = 0 : i64, scratch_operands = 7 : i64, tpu.core_type = #tpu.core_type<sc_vector_subcore>, window_params = [{transform_indices = #map}, {transform_indices = #map}, {transform_indices = #map}, {transform_indices = #map}, {transform_indices = #map}, {transform_indices = #map}]} {
    %mul3A = arith.constant 2 : i32
    %mul3A_0 = arith.muli %arg1, %mul3A : i32
    %add3A = arith.addi %mul3A_0, %arg0 : i32
    %mul3A_1 = arith.constant 782 : i32
    %mul3A_2 = arith.muli %add3A, %mul3A_1 : i32
    %jit3A = arith.constant 32 : i32
    %div3A = arith.divsi %mul3A_2, %jit3A : i32
    %sign3A = arith.constant 0 : i32
    %sign3A_3 = arith.cmpi sgt, %mul3A_2, %sign3A : i32
    %sign3A_4 = arith.extui %sign3A_3 : i1 to i32
    %sign3A_5 = arith.constant 0 : i32
    %sign3A_6 = arith.cmpi slt, %mul3A_2, %sign3A_5 : i32
    %sign3A_7 = arith.extui %sign3A_6 : i1 to i32
    %sign3A_8 = arith.subi %sign3A_4, %sign3A_7 : i32
    %sign3A_9 = arith.constant 0 : i32
    %sign3A_10 = arith.cmpi sgt, %jit3A, %sign3A_9 : i32
    %sign3A_11 = arith.extui %sign3A_10 : i1 to i32
    %sign3A_12 = arith.constant 0 : i32
    %sign3A_13 = arith.cmpi slt, %jit3A, %sign3A_12 : i32
    %sign3A_14 = arith.extui %sign3A_13 : i1 to i32
    %sign3A_15 = arith.subi %sign3A_11, %sign3A_14 : i32
    %ne3A = arith.cmpi ne, %sign3A_8, %sign3A_15 : i32
    %rem3A = arith.remsi %mul3A_2, %jit3A : i32
    %ne3A_16 = arith.constant 0 : i32
    %ne3A_17 = arith.cmpi ne, %rem3A, %ne3A_16 : i32
    %and3A = arith.andi %ne3A, %ne3A_17 : i1
    %sub3A = arith.constant 1 : i32
    %sub3A_18 = arith.subi %div3A, %sub3A : i32
    %select_n3A = arith.select %and3A, %sub3A_18, %div3A : i32
    %add3A_19 = arith.constant 1 : i32
    %add3A_20 = arith.addi %add3A, %add3A_19 : i32
    %mul3A_21 = arith.constant 782 : i32
    %mul3A_22 = arith.muli %add3A_20, %mul3A_21 : i32
    %jit3A_23 = arith.constant 32 : i32
    %div3A_24 = arith.divsi %mul3A_22, %jit3A_23 : i32
    %sign3A_25 = arith.constant 0 : i32
    %sign3A_26 = arith.cmpi sgt, %mul3A_22, %sign3A_25 : i32
    %sign3A_27 = arith.extui %sign3A_26 : i1 to i32
    %sign3A_28 = arith.constant 0 : i32
    %sign3A_29 = arith.cmpi slt, %mul3A_22, %sign3A_28 : i32
    %sign3A_30 = arith.extui %sign3A_29 : i1 to i32
    %sign3A_31 = arith.subi %sign3A_27, %sign3A_30 : i32
    %sign3A_32 = arith.constant 0 : i32
    %sign3A_33 = arith.cmpi sgt, %jit3A_23, %sign3A_32 : i32
    %sign3A_34 = arith.extui %sign3A_33 : i1 to i32
    %sign3A_35 = arith.constant 0 : i32
    %sign3A_36 = arith.cmpi slt, %jit3A_23, %sign3A_35 : i32
    %sign3A_37 = arith.extui %sign3A_36 : i1 to i32
    %sign3A_38 = arith.subi %sign3A_34, %sign3A_37 : i32
    %ne3A_39 = arith.cmpi ne, %sign3A_31, %sign3A_38 : i32
    %rem3A_40 = arith.remsi %mul3A_22, %jit3A_23 : i32
    %ne3A_41 = arith.constant 0 : i32
    %ne3A_42 = arith.cmpi ne, %rem3A_40, %ne3A_41 : i32
    %and3A_43 = arith.andi %ne3A_39, %ne3A_42 : i1
    %sub3A_44 = arith.constant 1 : i32
    %sub3A_45 = arith.subi %div3A_24, %sub3A_44 : i32
    %select_n3A_46 = arith.select %and3A_43, %sub3A_45, %div3A_24 : i32
    %sub3A_47 = arith.subi %select_n3A_46, %select_n3A : i32
    %broadcast_in_dim3A = arith.constant 0.000000e+00 : f32
    %broadcast_in_dim3A_48 = vector.broadcast %broadcast_in_dim3A : f32 to vector<16xf32>
    %mul3A_49 = arith.constant 16 : i32
    %mul3A_50 = arith.muli %select_n3A, %mul3A_49 : i32
    "tpu.region"() ({
      %run_scoped3A = tpu.sem_alloc : memref<!tpu.dma_semaphore, #tpu.memory_space<semaphore_mem>>
      %dma_start3A_230 = arith.constant 0 : i32
      %dma_start3A_231 = tpu.memref_slice %arg6[%mul3A_50, %dma_start3A_230] : memref<12896x128xi32, #tpu.memory_space<hbm>> -> memref<400x128xi32, #tpu.memory_space<hbm>>
      %dma_start3A_232 = arith.constant 0 : i32
      %dma_start3A_233 = tpu.memref_slice %arg6[%mul3A_50, %dma_start3A_232] : memref<12896x128xi32, #tpu.memory_space<hbm>> -> memref<400x128xi32, #tpu.memory_space<hbm>>
      tpu.enqueue_dma source(%dma_start3A_233 : memref<400x128xi32, #tpu.memory_space<hbm>>) target(%arg8 : memref<400x128xi32, #tpu.memory_space<vmem>>) target_semaphore(%run_scoped3A : memref<!tpu.dma_semaphore, #tpu.memory_space<semaphore_mem>>)
      %dma_wait3A = arith.constant 0 : i32
      %dma_wait3A_234 = tpu.memref_slice %arg6[%mul3A_50, %dma_wait3A] : memref<12896x128xi32, #tpu.memory_space<hbm>> -> memref<400x128xi32, #tpu.memory_space<hbm>>
      %dma_wait3A_235 = arith.constant 0 : i32
      %dma_wait3A_236 = tpu.memref_slice %arg6[%mul3A_50, %dma_wait3A_235] : memref<12896x128xi32, #tpu.memory_space<hbm>> -> memref<400x128xi32, #tpu.memory_space<hbm>>
      tpu.wait_dma2 semaphore(%run_scoped3A : memref<!tpu.dma_semaphore, #tpu.memory_space<semaphore_mem>>) src(%dma_wait3A_236 : memref<400x128xi32, #tpu.memory_space<hbm>>) dst(%arg8 : memref<400x128xi32, #tpu.memory_space<vmem>>)
      tpu.yield
    }) : () -> ()
    %scan3A = arith.constant 0 : i32
    %scan3A_51 = arith.constant 0 : i32
    %scan3A_52 = arith.constant 128 : i32
    %scan3A_53 = arith.addi %scan3A_51, %scan3A_52 : i32
    %scan3A_54 = arith.constant 1 : i32
    scf.for %scan3A_230 = %scan3A_51 to %scan3A_53 step %scan3A_54  : i32 {
      %swap3A = arith.index_cast %scan3A_230 : i32 to index
      %swap3A_231 = arith.constant 0 : index
      %swap3A_232 = tpu.vector_load %arg9[%swap3A, %swap3A_231] {strides = array<i32>} : memref<128x32xf32, #tpu.memory_space<vmem>>, vector<1x16xf32>,
      %swap3A_233 = vector.shape_cast %swap3A_232 : vector<1x16xf32> to vector<16xf32>
      %swap3A_234 = vector.shape_cast %broadcast_in_dim3A_48 : vector<16xf32> to vector<1x16xf32>
      tpu.vector_store %arg9[%swap3A, %swap3A_231], %swap3A_234 {strides = array<i32>} : memref<128x32xf32, #tpu.memory_space<vmem>>, vector<1x16xf32>,
      %swap3A_235 = arith.index_cast %scan3A_230 : i32 to index
      %swap3A_236 = arith.constant 16 : index
      %swap3A_237 = tpu.vector_load %arg9[%swap3A_235, %swap3A_236] {strides = array<i32>} : memref<128x32xf32, #tpu.memory_space<vmem>>, vector<1x16xf32>,
      %swap3A_238 = vector.shape_cast %swap3A_237 : vector<1x16xf32> to vector<16xf32>
      %swap3A_239 = vector.shape_cast %broadcast_in_dim3A_48 : vector<16xf32> to vector<1x16xf32>
      tpu.vector_store %arg9[%swap3A_235, %swap3A_236], %swap3A_239 {strides = array<i32>} : memref<128x32xf32, #tpu.memory_space<vmem>>, vector<1x16xf32>,
    }
    %scan3A_55 = arith.constant 128 : i32
    %dma_start3A = arith.constant 0 : i32
    %dma_start3A_56 = arith.constant 0 : i32
    %dma_start3A_57 = tpu.memref_slice %arg8[%dma_start3A, %dma_start3A_56] : memref<400x128xi32, #tpu.memory_space<vmem>> -> memref<1x128xi32, #tpu.memory_space<vmem>>
    %dma_start3A_58 = tpu.memref_squeeze %dma_start3A_57 : memref<1x128xi32, #tpu.memory_space<vmem>> -> memref<128xi32, #tpu.memory_space<vmem>>
    %dma_start3A_59 = arith.constant 0 : i32
    %dma_start3A_60 = arith.constant 0 : i32
    %dma_start3A_61 = tpu.memref_slice %arg2[%dma_start3A_59, %dma_start3A_60] : memref<400000x32xf32, #tpu.memory_space<hbm>> -> memref<400000x32xf32, #tpu.memory_space<hbm>>
    tpu.enqueue_indirect_dma source(%dma_start3A_61 : memref<400000x32xf32, #tpu.memory_space<hbm>>) target(%arg9 : memref<128x32xf32, #tpu.memory_space<vmem>>) offsets(%dma_start3A_58 : memref<128xi32, #tpu.memory_space<vmem>>) semaphore(%arg11 : memref<!tpu.dma_semaphore, #tpu.memory_space<semaphore_mem>>) {add = true}
    %dma_start3A_62 = arith.constant 1 : i32
    %dma_start3A_63 = arith.constant 0 : i32
    %dma_start3A_64 = tpu.memref_slice %arg8[%dma_start3A_62, %dma_start3A_63] : memref<400x128xi32, #tpu.memory_space<vmem>> -> memref<1x128xi32, #tpu.memory_space<vmem>>
    %dma_start3A_65 = tpu.memref_squeeze %dma_start3A_64 : memref<1x128xi32, #tpu.memory_space<vmem>> -> memref<128xi32, #tpu.memory_space<vmem>>
    %dma_start3A_66 = arith.constant 0 : i32
    %dma_start3A_67 = arith.constant 0 : i32
    %dma_start3A_68 = tpu.memref_slice %arg2[%dma_start3A_66, %dma_start3A_67] : memref<400000x32xf32, #tpu.memory_space<hbm>> -> memref<400000x32xf32, #tpu.memory_space<hbm>>
    tpu.enqueue_indirect_dma source(%dma_start3A_68 : memref<400000x32xf32, #tpu.memory_space<hbm>>) target(%arg9 : memref<128x32xf32, #tpu.memory_space<vmem>>) offsets(%dma_start3A_65 : memref<128xi32, #tpu.memory_space<vmem>>) semaphore(%arg11 : memref<!tpu.dma_semaphore, #tpu.memory_space<semaphore_mem>>) {add = true}
    %dma_start3A_69 = arith.constant 2 : i32
    %dma_start3A_70 = arith.constant 0 : i32
    %dma_start3A_71 = tpu.memref_slice %arg8[%dma_start3A_69, %dma_start3A_70] : memref<400x128xi32, #tpu.memory_space<vmem>> -> memref<1x128xi32, #tpu.memory_space<vmem>>
    %dma_start3A_72 = tpu.memref_squeeze %dma_start3A_71 : memref<1x128xi32, #tpu.memory_space<vmem>> -> memref<128xi32, #tpu.memory_space<vmem>>
    %dma_start3A_73 = arith.constant 0 : i32
    %dma_start3A_74 = arith.constant 0 : i32
    %dma_start3A_75 = tpu.memref_slice %arg2[%dma_start3A_73, %dma_start3A_74] : memref<400000x32xf32, #tpu.memory_space<hbm>> -> memref<400000x32xf32, #tpu.memory_space<hbm>>
    tpu.enqueue_indirect_dma source(%dma_start3A_75 : memref<400000x32xf32, #tpu.memory_space<hbm>>) target(%arg9 : memref<128x32xf32, #tpu.memory_space<vmem>>) offsets(%dma_start3A_72 : memref<128xi32, #tpu.memory_space<vmem>>) semaphore(%arg11 : memref<!tpu.dma_semaphore, #tpu.memory_space<semaphore_mem>>) {add = true}
    %dma_start3A_76 = arith.constant 3 : i32
    %dma_start3A_77 = arith.constant 0 : i32
    %dma_start3A_78 = tpu.memref_slice %arg8[%dma_start3A_76, %dma_start3A_77] : memref<400x128xi32, #tpu.memory_space<vmem>> -> memref<1x128xi32, #tpu.memory_space<vmem>>
    %dma_start3A_79 = tpu.memref_squeeze %dma_start3A_78 : memref<1x128xi32, #tpu.memory_space<vmem>> -> memref<128xi32, #tpu.memory_space<vmem>>
    %dma_start3A_80 = arith.constant 0 : i32
    %dma_start3A_81 = arith.constant 0 : i32
    %dma_start3A_82 = tpu.memref_slice %arg2[%dma_start3A_80, %dma_start3A_81] : memref<400000x32xf32, #tpu.memory_space<hbm>> -> memref<400000x32xf32, #tpu.memory_space<hbm>>
    tpu.enqueue_indirect_dma source(%dma_start3A_82 : memref<400000x32xf32, #tpu.memory_space<hbm>>) target(%arg9 : memref<128x32xf32, #tpu.memory_space<vmem>>) offsets(%dma_start3A_79 : memref<128xi32, #tpu.memory_space<vmem>>) semaphore(%arg11 : memref<!tpu.dma_semaphore, #tpu.memory_space<semaphore_mem>>) {add = true}
    %dma_start3A_83 = arith.constant 4 : i32
    %dma_start3A_84 = arith.constant 0 : i32
    %dma_start3A_85 = tpu.memref_slice %arg8[%dma_start3A_83, %dma_start3A_84] : memref<400x128xi32, #tpu.memory_space<vmem>> -> memref<1x128xi32, #tpu.memory_space<vmem>>
    %dma_start3A_86 = tpu.memref_squeeze %dma_start3A_85 : memref<1x128xi32, #tpu.memory_space<vmem>> -> memref<128xi32, #tpu.memory_space<vmem>>
    %dma_start3A_87 = arith.constant 0 : i32
    %dma_start3A_88 = arith.constant 0 : i32
    %dma_start3A_89 = tpu.memref_slice %arg3[%dma_start3A_87, %dma_start3A_88] : memref<400000x32xf32, #tpu.memory_space<hbm>> -> memref<400000x32xf32, #tpu.memory_space<hbm>>
    tpu.enqueue_indirect_dma source(%dma_start3A_89 : memref<400000x32xf32, #tpu.memory_space<hbm>>) target(%arg9 : memref<128x32xf32, #tpu.memory_space<vmem>>) offsets(%dma_start3A_86 : memref<128xi32, #tpu.memory_space<vmem>>) semaphore(%arg11 : memref<!tpu.dma_semaphore, #tpu.memory_space<semaphore_mem>>) {add = true}
    %dma_start3A_90 = arith.constant 5 : i32
    %dma_start3A_91 = arith.constant 0 : i32
    %dma_start3A_92 = tpu.memref_slice %arg8[%dma_start3A_90, %dma_start3A_91] : memref<400x128xi32, #tpu.memory_space<vmem>> -> memref<1x128xi32, #tpu.memory_space<vmem>>
    %dma_start3A_93 = tpu.memref_squeeze %dma_start3A_92 : memref<1x128xi32, #tpu.memory_space<vmem>> -> memref<128xi32, #tpu.memory_space<vmem>>
    %dma_start3A_94 = arith.constant 0 : i32
    %dma_start3A_95 = arith.constant 0 : i32
    %dma_start3A_96 = tpu.memref_slice %arg3[%dma_start3A_94, %dma_start3A_95] : memref<400000x32xf32, #tpu.memory_space<hbm>> -> memref<400000x32xf32, #tpu.memory_space<hbm>>
    tpu.enqueue_indirect_dma source(%dma_start3A_96 : memref<400000x32xf32, #tpu.memory_space<hbm>>) target(%arg9 : memref<128x32xf32, #tpu.memory_space<vmem>>) offsets(%dma_start3A_93 : memref<128xi32, #tpu.memory_space<vmem>>) semaphore(%arg11 : memref<!tpu.dma_semaphore, #tpu.memory_space<semaphore_mem>>) {add = true}
    %dma_start3A_97 = arith.constant 6 : i32
    %dma_start3A_98 = arith.constant 0 : i32
    %dma_start3A_99 = tpu.memref_slice %arg8[%dma_start3A_97, %dma_start3A_98] : memref<400x128xi32, #tpu.memory_space<vmem>> -> memref<1x128xi32, #tpu.memory_space<vmem>>
    %dma_start3A_100 = tpu.memref_squeeze %dma_start3A_99 : memref<1x128xi32, #tpu.memory_space<vmem>> -> memref<128xi32, #tpu.memory_space<vmem>>
    %dma_start3A_101 = arith.constant 0 : i32
    %dma_start3A_102 = arith.constant 0 : i32
    %dma_start3A_103 = tpu.memref_slice %arg3[%dma_start3A_101, %dma_start3A_102] : memref<400000x32xf32, #tpu.memory_space<hbm>> -> memref<400000x32xf32, #tpu.memory_space<hbm>>
    tpu.enqueue_indirect_dma source(%dma_start3A_103 : memref<400000x32xf32, #tpu.memory_space<hbm>>) target(%arg9 : memref<128x32xf32, #tpu.memory_space<vmem>>) offsets(%dma_start3A_100 : memref<128xi32, #tpu.memory_space<vmem>>) semaphore(%arg11 : memref<!tpu.dma_semaphore, #tpu.memory_space<semaphore_mem>>) {add = true}
    %dma_start3A_104 = arith.constant 7 : i32
    %dma_start3A_105 = arith.constant 0 : i32
    %dma_start3A_106 = tpu.memref_slice %arg8[%dma_start3A_104, %dma_start3A_105] : memref<400x128xi32, #tpu.memory_space<vmem>> -> memref<1x128xi32, #tpu.memory_space<vmem>>
    %dma_start3A_107 = tpu.memref_squeeze %dma_start3A_106 : memref<1x128xi32, #tpu.memory_space<vmem>> -> memref<128xi32, #tpu.memory_space<vmem>>
    %dma_start3A_108 = arith.constant 0 : i32
    %dma_start3A_109 = arith.constant 0 : i32
    %dma_start3A_110 = tpu.memref_slice %arg3[%dma_start3A_108, %dma_start3A_109] : memref<400000x32xf32, #tpu.memory_space<hbm>> -> memref<400000x32xf32, #tpu.memory_space<hbm>>
    tpu.enqueue_indirect_dma source(%dma_start3A_110 : memref<400000x32xf32, #tpu.memory_space<hbm>>) target(%arg9 : memref<128x32xf32, #tpu.memory_space<vmem>>) offsets(%dma_start3A_107 : memref<128xi32, #tpu.memory_space<vmem>>) semaphore(%arg11 : memref<!tpu.dma_semaphore, #tpu.memory_space<semaphore_mem>>) {add = true}
    %dma_start3A_111 = arith.constant 8 : i32
    %dma_start3A_112 = arith.constant 0 : i32
    %dma_start3A_113 = tpu.memref_slice %arg8[%dma_start3A_111, %dma_start3A_112] : memref<400x128xi32, #tpu.memory_space<vmem>> -> memref<1x128xi32, #tpu.memory_space<vmem>>
    %dma_start3A_114 = tpu.memref_squeeze %dma_start3A_113 : memref<1x128xi32, #tpu.memory_space<vmem>> -> memref<128xi32, #tpu.memory_space<vmem>>
    %dma_start3A_115 = arith.constant 0 : i32
    %dma_start3A_116 = arith.constant 0 : i32
    %dma_start3A_117 = tpu.memref_slice %arg4[%dma_start3A_115, %dma_start3A_116] : memref<400000x32xf32, #tpu.memory_space<hbm>> -> memref<400000x32xf32, #tpu.memory_space<hbm>>
    tpu.enqueue_indirect_dma source(%dma_start3A_117 : memref<400000x32xf32, #tpu.memory_space<hbm>>) target(%arg9 : memref<128x32xf32, #tpu.memory_space<vmem>>) offsets(%dma_start3A_114 : memref<128xi32, #tpu.memory_space<vmem>>) semaphore(%arg11 : memref<!tpu.dma_semaphore, #tpu.memory_space<semaphore_mem>>) {add = true}
    %dma_start3A_118 = arith.constant 9 : i32
    %dma_start3A_119 = arith.constant 0 : i32
    %dma_start3A_120 = tpu.memref_slice %arg8[%dma_start3A_118, %dma_start3A_119] : memref<400x128xi32, #tpu.memory_space<vmem>> -> memref<1x128xi32, #tpu.memory_space<vmem>>
    %dma_start3A_121 = tpu.memref_squeeze %dma_start3A_120 : memref<1x128xi32, #tpu.memory_space<vmem>> -> memref<128xi32, #tpu.memory_space<vmem>>
    %dma_start3A_122 = arith.constant 0 : i32
    %dma_start3A_123 = arith.constant 0 : i32
    %dma_start3A_124 = tpu.memref_slice %arg4[%dma_start3A_122, %dma_start3A_123] : memref<400000x32xf32, #tpu.memory_space<hbm>> -> memref<400000x32xf32, #tpu.memory_space<hbm>>
    tpu.enqueue_indirect_dma source(%dma_start3A_124 : memref<400000x32xf32, #tpu.memory_space<hbm>>) target(%arg9 : memref<128x32xf32, #tpu.memory_space<vmem>>) offsets(%dma_start3A_121 : memref<128xi32, #tpu.memory_space<vmem>>) semaphore(%arg11 : memref<!tpu.dma_semaphore, #tpu.memory_space<semaphore_mem>>) {add = true}
    %dma_start3A_125 = arith.constant 10 : i32
    %dma_start3A_126 = arith.constant 0 : i32
    %dma_start3A_127 = tpu.memref_slice %arg8[%dma_start3A_125, %dma_start3A_126] : memref<400x128xi32, #tpu.memory_space<vmem>> -> memref<1x128xi32, #tpu.memory_space<vmem>>
    %dma_start3A_128 = tpu.memref_squeeze %dma_start3A_127 : memref<1x128xi32, #tpu.memory_space<vmem>> -> memref<128xi32, #tpu.memory_space<vmem>>
    %dma_start3A_129 = arith.constant 0 : i32
    %dma_start3A_130 = arith.constant 0 : i32
    %dma_start3A_131 = tpu.memref_slice %arg4[%dma_start3A_129, %dma_start3A_130] : memref<400000x32xf32, #tpu.memory_space<hbm>> -> memref<400000x32xf32, #tpu.memory_space<hbm>>
    tpu.enqueue_indirect_dma source(%dma_start3A_131 : memref<400000x32xf32, #tpu.memory_space<hbm>>) target(%arg9 : memref<128x32xf32, #tpu.memory_space<vmem>>) offsets(%dma_start3A_128 : memref<128xi32, #tpu.memory_space<vmem>>) semaphore(%arg11 : memref<!tpu.dma_semaphore, #tpu.memory_space<semaphore_mem>>) {add = true}
    %dma_start3A_132 = arith.constant 11 : i32
    %dma_start3A_133 = arith.constant 0 : i32
    %dma_start3A_134 = tpu.memref_slice %arg8[%dma_start3A_132, %dma_start3A_133] : memref<400x128xi32, #tpu.memory_space<vmem>> -> memref<1x128xi32, #tpu.memory_space<vmem>>
    %dma_start3A_135 = tpu.memref_squeeze %dma_start3A_134 : memref<1x128xi32, #tpu.memory_space<vmem>> -> memref<128xi32, #tpu.memory_space<vmem>>
    %dma_start3A_136 = arith.constant 0 : i32
    %dma_start3A_137 = arith.constant 0 : i32
    %dma_start3A_138 = tpu.memref_slice %arg4[%dma_start3A_136, %dma_start3A_137] : memref<400000x32xf32, #tpu.memory_space<hbm>> -> memref<400000x32xf32, #tpu.memory_space<hbm>>
    tpu.enqueue_indirect_dma source(%dma_start3A_138 : memref<400000x32xf32, #tpu.memory_space<hbm>>) target(%arg9 : memref<128x32xf32, #tpu.memory_space<vmem>>) offsets(%dma_start3A_135 : memref<128xi32, #tpu.memory_space<vmem>>) semaphore(%arg11 : memref<!tpu.dma_semaphore, #tpu.memory_space<semaphore_mem>>) {add = true}
    %dma_start3A_139 = arith.constant 12 : i32
    %dma_start3A_140 = arith.constant 0 : i32
    %dma_start3A_141 = tpu.memref_slice %arg8[%dma_start3A_139, %dma_start3A_140] : memref<400x128xi32, #tpu.memory_space<vmem>> -> memref<1x128xi32, #tpu.memory_space<vmem>>
    %dma_start3A_142 = tpu.memref_squeeze %dma_start3A_141 : memref<1x128xi32, #tpu.memory_space<vmem>> -> memref<128xi32, #tpu.memory_space<vmem>>
    %dma_start3A_143 = arith.constant 0 : i32
    %dma_start3A_144 = arith.constant 0 : i32
    %dma_start3A_145 = tpu.memref_slice %arg5[%dma_start3A_143, %dma_start3A_144] : memref<400000x32xf32, #tpu.memory_space<hbm>> -> memref<400000x32xf32, #tpu.memory_space<hbm>>
    tpu.enqueue_indirect_dma source(%dma_start3A_145 : memref<400000x32xf32, #tpu.memory_space<hbm>>) target(%arg9 : memref<128x32xf32, #tpu.memory_space<vmem>>) offsets(%dma_start3A_142 : memref<128xi32, #tpu.memory_space<vmem>>) semaphore(%arg11 : memref<!tpu.dma_semaphore, #tpu.memory_space<semaphore_mem>>) {add = true}
    %dma_start3A_146 = arith.constant 13 : i32
    %dma_start3A_147 = arith.constant 0 : i32
    %dma_start3A_148 = tpu.memref_slice %arg8[%dma_start3A_146, %dma_start3A_147] : memref<400x128xi32, #tpu.memory_space<vmem>> -> memref<1x128xi32, #tpu.memory_space<vmem>>
    %dma_start3A_149 = tpu.memref_squeeze %dma_start3A_148 : memref<1x128xi32, #tpu.memory_space<vmem>> -> memref<128xi32, #tpu.memory_space<vmem>>
    %dma_start3A_150 = arith.constant 0 : i32
    %dma_start3A_151 = arith.constant 0 : i32
    %dma_start3A_152 = tpu.memref_slice %arg5[%dma_start3A_150, %dma_start3A_151] : memref<400000x32xf32, #tpu.memory_space<hbm>> -> memref<400000x32xf32, #tpu.memory_space<hbm>>
    tpu.enqueue_indirect_dma source(%dma_start3A_152 : memref<400000x32xf32, #tpu.memory_space<hbm>>) target(%arg9 : memref<128x32xf32, #tpu.memory_space<vmem>>) offsets(%dma_start3A_149 : memref<128xi32, #tpu.memory_space<vmem>>) semaphore(%arg11 : memref<!tpu.dma_semaphore, #tpu.memory_space<semaphore_mem>>) {add = true}
    %dma_start3A_153 = arith.constant 14 : i32
    %dma_start3A_154 = arith.constant 0 : i32
    %dma_start3A_155 = tpu.memref_slice %arg8[%dma_start3A_153, %dma_start3A_154] : memref<400x128xi32, #tpu.memory_space<vmem>> -> memref<1x128xi32, #tpu.memory_space<vmem>>
    %dma_start3A_156 = tpu.memref_squeeze %dma_start3A_155 : memref<1x128xi32, #tpu.memory_space<vmem>> -> memref<128xi32, #tpu.memory_space<vmem>>
    %dma_start3A_157 = arith.constant 0 : i32
    %dma_start3A_158 = arith.constant 0 : i32
    %dma_start3A_159 = tpu.memref_slice %arg5[%dma_start3A_157, %dma_start3A_158] : memref<400000x32xf32, #tpu.memory_space<hbm>> -> memref<400000x32xf32, #tpu.memory_space<hbm>>
    tpu.enqueue_indirect_dma source(%dma_start3A_159 : memref<400000x32xf32, #tpu.memory_space<hbm>>) target(%arg9 : memref<128x32xf32, #tpu.memory_space<vmem>>) offsets(%dma_start3A_156 : memref<128xi32, #tpu.memory_space<vmem>>) semaphore(%arg11 : memref<!tpu.dma_semaphore, #tpu.memory_space<semaphore_mem>>) {add = true}
    %dma_start3A_160 = arith.constant 15 : i32
    %dma_start3A_161 = arith.constant 0 : i32
    %dma_start3A_162 = tpu.memref_slice %arg8[%dma_start3A_160, %dma_start3A_161] : memref<400x128xi32, #tpu.memory_space<vmem>> -> memref<1x128xi32, #tpu.memory_space<vmem>>
    %dma_start3A_163 = tpu.memref_squeeze %dma_start3A_162 : memref<1x128xi32, #tpu.memory_space<vmem>> -> memref<128xi32, #tpu.memory_space<vmem>>
    %dma_start3A_164 = arith.constant 0 : i32
    %dma_start3A_165 = arith.constant 0 : i32
    %dma_start3A_166 = tpu.memref_slice %arg5[%dma_start3A_164, %dma_start3A_165] : memref<400000x32xf32, #tpu.memory_space<hbm>> -> memref<400000x32xf32, #tpu.memory_space<hbm>>
    tpu.enqueue_indirect_dma source(%dma_start3A_166 : memref<400000x32xf32, #tpu.memory_space<hbm>>) target(%arg9 : memref<128x32xf32, #tpu.memory_space<vmem>>) offsets(%dma_start3A_163 : memref<128xi32, #tpu.memory_space<vmem>>) semaphore(%arg11 : memref<!tpu.dma_semaphore, #tpu.memory_space<semaphore_mem>>) {add = true}
    %scan3A_167 = arith.constant 0 : i32
    %scan3A_168 = arith.constant 0 : i32
    %scan3A_169 = arith.constant 13 : i32
    %scan3A_170 = arith.addi %scan3A_168, %scan3A_169 : i32
    %scan3A_171 = arith.constant 1 : i32
    scf.for %scan3A_230 = %scan3A_168 to %scan3A_170 step %scan3A_171  : i32 {
      %mul3A_231 = arith.constant 2 : i32
      %mul3A_232 = arith.muli %scan3A_230, %mul3A_231 : i32
      %add3A_233 = arith.constant 0 : i32
      %add3A_234 = arith.addi %mul3A_232, %add3A_233 : i32
      %lt3A_235 = arith.cmpi slt, %add3A_234, %sub3A_47 : i32
      %convert_element_type3A_236 = arith.extui %lt3A_235 : i1 to i32
      %cond3A_237 = arith.constant 0 : i32
      %cond3A_238 = arith.cmpi ne, %convert_element_type3A_236, %cond3A_237 : i32
      scf.if %cond3A_238 {
        %add3A_247 = arith.constant 1 : i32
        %add3A_248 = arith.addi %add3A_234, %add3A_247 : i32
        %lt3A_249 = arith.cmpi slt, %add3A_248, %sub3A_47 : i32
        %convert_element_type3A_250 = arith.extui %lt3A_249 : i1 to i32
        %cond3A_251 = arith.constant 0 : i32
        %cond3A_252 = arith.cmpi ne, %convert_element_type3A_250, %cond3A_251 : i32
        scf.if %cond3A_252 {
          %ge3A = arith.constant 1 : i32
          %ge3A_359 = arith.cmpi sge, %add3A_234, %ge3A : i32
          %convert_element_type3A_360 = arith.extui %ge3A_359 : i1 to i32
          %cond3A_361 = arith.constant 0 : i32
          %cond3A_362 = arith.cmpi ne, %convert_element_type3A_360, %cond3A_361 : i32
          scf.if %cond3A_362 {
            %dma_wait3A_531 = arith.constant 0 : i32
            %dma_wait3A_532 = arith.constant 0 : i32
            %dma_wait3A_533 = tpu.memref_slice %arg7[%dma_wait3A_531, %dma_wait3A_532] : memref<100000x128xf32, #tpu.memory_space<hbm>> -> memref<128x32xf32, #tpu.memory_space<hbm>>
            %dma_wait3A_534 = arith.constant 0 : i32
            %dma_wait3A_535 = arith.constant 0 : i32
            %dma_wait3A_536 = tpu.memref_slice %arg7[%dma_wait3A_534, %dma_wait3A_535] : memref<100000x128xf32, #tpu.memory_space<hbm>> -> memref<128x32xf32, #tpu.memory_space<hbm>>
            tpu.wait_dma2 semaphore(%arg14 : memref<!tpu.dma_semaphore, #tpu.memory_space<semaphore_mem>>) src(%arg10 : memref<128x32xf32, #tpu.memory_space<vmem>>) dst(%dma_wait3A_536 : memref<128x32xf32, #tpu.memory_space<hbm>>)
          } else {
          }
          %scan3A_363 = arith.constant 0 : i32
          %scan3A_364 = arith.constant 0 : i32
          %scan3A_365 = arith.constant 128 : i32
          %scan3A_366 = arith.addi %scan3A_364, %scan3A_365 : i32
          %scan3A_367 = arith.constant 1 : i32
          scf.for %scan3A_531 = %scan3A_364 to %scan3A_366 step %scan3A_367  : i32 {
            %swap3A = arith.index_cast %scan3A_531 : i32 to index
            %swap3A_532 = arith.constant 0 : index
            %swap3A_533 = tpu.vector_load %arg10[%swap3A, %swap3A_532] {strides = array<i32>} : memref<128x32xf32, #tpu.memory_space<vmem>>, vector<1x16xf32>,
            %swap3A_534 = vector.shape_cast %swap3A_533 : vector<1x16xf32> to vector<16xf32>
            %swap3A_535 = vector.shape_cast %broadcast_in_dim3A_48 : vector<16xf32> to vector<1x16xf32>
            tpu.vector_store %arg10[%swap3A, %swap3A_532], %swap3A_535 {strides = array<i32>} : memref<128x32xf32, #tpu.memory_space<vmem>>, vector<1x16xf32>,
            %swap3A_536 = arith.index_cast %scan3A_531 : i32 to index
            %swap3A_537 = arith.constant 16 : index
            %swap3A_538 = tpu.vector_load %arg10[%swap3A_536, %swap3A_537] {strides = array<i32>} : memref<128x32xf32, #tpu.memory_space<vmem>>, vector<1x16xf32>,
            %swap3A_539 = vector.shape_cast %swap3A_538 : vector<1x16xf32> to vector<16xf32>
            %swap3A_540 = vector.shape_cast %broadcast_in_dim3A_48 : vector<16xf32> to vector<1x16xf32>
            tpu.vector_store %arg10[%swap3A_536, %swap3A_537], %swap3A_540 {strides = array<i32>} : memref<128x32xf32, #tpu.memory_space<vmem>>, vector<1x16xf32>,
          }
          %scan3A_368 = arith.constant 128 : i32
          %add3A_369 = arith.constant 1 : i32
          %add3A_370 = arith.addi %add3A_234, %add3A_369 : i32
          %mul3A_371 = arith.constant 16 : i32
          %mul3A_372 = arith.muli %add3A_370, %mul3A_371 : i32
          %add3A_373 = arith.constant 0 : i32
          %add3A_374 = arith.addi %mul3A_372, %add3A_373 : i32
          %dma_start3A_375 = arith.constant 0 : i32
          %dma_start3A_376 = tpu.memref_slice %arg8[%add3A_374, %dma_start3A_375] : memref<400x128xi32, #tpu.memory_space<vmem>> -> memref<1x128xi32, #tpu.memory_space<vmem>>
          %dma_start3A_377 = tpu.memref_squeeze %dma_start3A_376 : memref<1x128xi32, #tpu.memory_space<vmem>> -> memref<128xi32, #tpu.memory_space<vmem>>
          %dma_start3A_378 = arith.constant 0 : i32
          %dma_start3A_379 = arith.constant 0 : i32
          %dma_start3A_380 = tpu.memref_slice %arg2[%dma_start3A_378, %dma_start3A_379] : memref<400000x32xf32, #tpu.memory_space<hbm>> -> memref<400000x32xf32, #tpu.memory_space<hbm>>
          tpu.enqueue_indirect_dma source(%dma_start3A_380 : memref<400000x32xf32, #tpu.memory_space<hbm>>) target(%arg10 : memref<128x32xf32, #tpu.memory_space<vmem>>) offsets(%dma_start3A_377 : memref<128xi32, #tpu.memory_space<vmem>>) semaphore(%arg12 : memref<!tpu.dma_semaphore, #tpu.memory_space<semaphore_mem>>) {add = true}
          %mul3A_381 = arith.constant 16 : i32
          %mul3A_382 = arith.muli %add3A_370, %mul3A_381 : i32
          %add3A_383 = arith.constant 1 : i32
          %add3A_384 = arith.addi %mul3A_382, %add3A_383 : i32
          %dma_start3A_385 = arith.constant 0 : i32
          %dma_start3A_386 = tpu.memref_slice %arg8[%add3A_384, %dma_start3A_385] : memref<400x128xi32, #tpu.memory_space<vmem>> -> memref<1x128xi32, #tpu.memory_space<vmem>>
          %dma_start3A_387 = tpu.memref_squeeze %dma_start3A_386 : memref<1x128xi32, #tpu.memory_space<vmem>> -> memref<128xi32, #tpu.memory_space<vmem>>
          %dma_start3A_388 = arith.constant 0 : i32
          %dma_start3A_389 = arith.constant 0 : i32
          %dma_start3A_390 = tpu.memref_slice %arg2[%dma_start3A_388, %dma_start3A_389] : memref<400000x32xf32, #tpu.memory_space<hbm>> -> memref<400000x32xf32, #tpu.memory_space<hbm>>
          tpu.enqueue_indirect_dma source(%dma_start3A_390 : memref<400000x32xf32, #tpu.memory_space<hbm>>) target(%arg10 : memref<128x32xf32, #tpu.memory_space<vmem>>) offsets(%dma_start3A_387 : memref<128xi32, #tpu.memory_space<vmem>>) semaphore(%arg12 : memref<!tpu.dma_semaphore, #tpu.memory_space<semaphore_mem>>) {add = true}
          %mul3A_391 = arith.constant 16 : i32
          %mul3A_392 = arith.muli %add3A_370, %mul3A_391 : i32
          %add3A_393 = arith.constant 2 : i32
          %add3A_394 = arith.addi %mul3A_392, %add3A_393 : i32
          %dma_start3A_395 = arith.constant 0 : i32
          %dma_start3A_396 = tpu.memref_slice %arg8[%add3A_394, %dma_start3A_395] : memref<400x128xi32, #tpu.memory_space<vmem>> -> memref<1x128xi32, #tpu.memory_space<vmem>>
          %dma_start3A_397 = tpu.memref_squeeze %dma_start3A_396 : memref<1x128xi32, #tpu.memory_space<vmem>> -> memref<128xi32, #tpu.memory_space<vmem>>
          %dma_start3A_398 = arith.constant 0 : i32
          %dma_start3A_399 = arith.constant 0 : i32
          %dma_start3A_400 = tpu.memref_slice %arg2[%dma_start3A_398, %dma_start3A_399] : memref<400000x32xf32, #tpu.memory_space<hbm>> -> memref<400000x32xf32, #tpu.memory_space<hbm>>
          tpu.enqueue_indirect_dma source(%dma_start3A_400 : memref<400000x32xf32, #tpu.memory_space<hbm>>) target(%arg10 : memref<128x32xf32, #tpu.memory_space<vmem>>) offsets(%dma_start3A_397 : memref<128xi32, #tpu.memory_space<vmem>>) semaphore(%arg12 : memref<!tpu.dma_semaphore, #tpu.memory_space<semaphore_mem>>) {add = true}
          %mul3A_401 = arith.constant 16 : i32
          %mul3A_402 = arith.muli %add3A_370, %mul3A_401 : i32
          %add3A_403 = arith.constant 3 : i32
          %add3A_404 = arith.addi %mul3A_402, %add3A_403 : i32
          %dma_start3A_405 = arith.constant 0 : i32
          %dma_start3A_406 = tpu.memref_slice %arg8[%add3A_404, %dma_start3A_405] : memref<400x128xi32, #tpu.memory_space<vmem>> -> memref<1x128xi32, #tpu.memory_space<vmem>>
          %dma_start3A_407 = tpu.memref_squeeze %dma_start3A_406 : memref<1x128xi32, #tpu.memory_space<vmem>> -> memref<128xi32, #tpu.memory_space<vmem>>
          %dma_start3A_408 = arith.constant 0 : i32
          %dma_start3A_409 = arith.constant 0 : i32
          %dma_start3A_410 = tpu.memref_slice %arg2[%dma_start3A_408, %dma_start3A_409] : memref<400000x32xf32, #tpu.memory_space<hbm>> -> memref<400000x32xf32, #tpu.memory_space<hbm>>
          tpu.enqueue_indirect_dma source(%dma_start3A_410 : memref<400000x32xf32, #tpu.memory_space<hbm>>) target(%arg10 : memref<128x32xf32, #tpu.memory_space<vmem>>) offsets(%dma_start3A_407 : memref<128xi32, #tpu.memory_space<vmem>>) semaphore(%arg12 : memref<!tpu.dma_semaphore, #tpu.memory_space<semaphore_mem>>) {add = true}
          %mul3A_411 = arith.constant 16 : i32
          %mul3A_412 = arith.muli %add3A_370, %mul3A_411 : i32
          %add3A_413 = arith.constant 4 : i32
          %add3A_414 = arith.addi %mul3A_412, %add3A_413 : i32
          %dma_start3A_415 = arith.constant 0 : i32
          %dma_start3A_416 = tpu.memref_slice %arg8[%add3A_414, %dma_start3A_415] : memref<400x128xi32, #tpu.memory_space<vmem>> -> memref<1x128xi32, #tpu.memory_space<vmem>>
          %dma_start3A_417 = tpu.memref_squeeze %dma_start3A_416 : memref<1x128xi32, #tpu.memory_space<vmem>> -> memref<128xi32, #tpu.memory_space<vmem>>
          %dma_start3A_418 = arith.constant 0 : i32
          %dma_start3A_419 = arith.constant 0 : i32
          %dma_start3A_420 = tpu.memref_slice %arg3[%dma_start3A_418, %dma_start3A_419] : memref<400000x32xf32, #tpu.memory_space<hbm>> -> memref<400000x32xf32, #tpu.memory_space<hbm>>
          tpu.enqueue_indirect_dma source(%dma_start3A_420 : memref<400000x32xf32, #tpu.memory_space<hbm>>) target(%arg10 : memref<128x32xf32, #tpu.memory_space<vmem>>) offsets(%dma_start3A_417 : memref<128xi32, #tpu.memory_space<vmem>>) semaphore(%arg12 : memref<!tpu.dma_semaphore, #tpu.memory_space<semaphore_mem>>) {add = true}
          %mul3A_421 = arith.constant 16 : i32
          %mul3A_422 = arith.muli %add3A_370, %mul3A_421 : i32
          %add3A_423 = arith.constant 5 : i32
          %add3A_424 = arith.addi %mul3A_422, %add3A_423 : i32
          %dma_start3A_425 = arith.constant 0 : i32
          %dma_start3A_426 = tpu.memref_slice %arg8[%add3A_424, %dma_start3A_425] : memref<400x128xi32, #tpu.memory_space<vmem>> -> memref<1x128xi32, #tpu.memory_space<vmem>>
          %dma_start3A_427 = tpu.memref_squeeze %dma_start3A_426 : memref<1x128xi32, #tpu.memory_space<vmem>> -> memref<128xi32, #tpu.memory_space<vmem>>
          %dma_start3A_428 = arith.constant 0 : i32
          %dma_start3A_429 = arith.constant 0 : i32
          %dma_start3A_430 = tpu.memref_slice %arg3[%dma_start3A_428, %dma_start3A_429] : memref<400000x32xf32, #tpu.memory_space<hbm>> -> memref<400000x32xf32, #tpu.memory_space<hbm>>
          tpu.enqueue_indirect_dma source(%dma_start3A_430 : memref<400000x32xf32, #tpu.memory_space<hbm>>) target(%arg10 : memref<128x32xf32, #tpu.memory_space<vmem>>) offsets(%dma_start3A_427 : memref<128xi32, #tpu.memory_space<vmem>>) semaphore(%arg12 : memref<!tpu.dma_semaphore, #tpu.memory_space<semaphore_mem>>) {add = true}
          %mul3A_431 = arith.constant 16 : i32
          %mul3A_432 = arith.muli %add3A_370, %mul3A_431 : i32
          %add3A_433 = arith.constant 6 : i32
          %add3A_434 = arith.addi %mul3A_432, %add3A_433 : i32
          %dma_start3A_435 = arith.constant 0 : i32
          %dma_start3A_436 = tpu.memref_slice %arg8[%add3A_434, %dma_start3A_435] : memref<400x128xi32, #tpu.memory_space<vmem>> -> memref<1x128xi32, #tpu.memory_space<vmem>>
          %dma_start3A_437 = tpu.memref_squeeze %dma_start3A_436 : memref<1x128xi32, #tpu.memory_space<vmem>> -> memref<128xi32, #tpu.memory_space<vmem>>
          %dma_start3A_438 = arith.constant 0 : i32
          %dma_start3A_439 = arith.constant 0 : i32
          %dma_start3A_440 = tpu.memref_slice %arg3[%dma_start3A_438, %dma_start3A_439] : memref<400000x32xf32, #tpu.memory_space<hbm>> -> memref<400000x32xf32, #tpu.memory_space<hbm>>
          tpu.enqueue_indirect_dma source(%dma_start3A_440 : memref<400000x32xf32, #tpu.memory_space<hbm>>) target(%arg10 : memref<128x32xf32, #tpu.memory_space<vmem>>) offsets(%dma_start3A_437 : memref<128xi32, #tpu.memory_space<vmem>>) semaphore(%arg12 : memref<!tpu.dma_semaphore, #tpu.memory_space<semaphore_mem>>) {add = true}
          %mul3A_441 = arith.constant 16 : i32
          %mul3A_442 = arith.muli %add3A_370, %mul3A_441 : i32
          %add3A_443 = arith.constant 7 : i32
          %add3A_444 = arith.addi %mul3A_442, %add3A_443 : i32
          %dma_start3A_445 = arith.constant 0 : i32
          %dma_start3A_446 = tpu.memref_slice %arg8[%add3A_444, %dma_start3A_445] : memref<400x128xi32, #tpu.memory_space<vmem>> -> memref<1x128xi32, #tpu.memory_space<vmem>>
          %dma_start3A_447 = tpu.memref_squeeze %dma_start3A_446 : memref<1x128xi32, #tpu.memory_space<vmem>> -> memref<128xi32, #tpu.memory_space<vmem>>
          %dma_start3A_448 = arith.constant 0 : i32
          %dma_start3A_449 = arith.constant 0 : i32
          %dma_start3A_450 = tpu.memref_slice %arg3[%dma_start3A_448, %dma_start3A_449] : memref<400000x32xf32, #tpu.memory_space<hbm>> -> memref<400000x32xf32, #tpu.memory_space<hbm>>
          tpu.enqueue_indirect_dma source(%dma_start3A_450 : memref<400000x32xf32, #tpu.memory_space<hbm>>) target(%arg10 : memref<128x32xf32, #tpu.memory_space<vmem>>) offsets(%dma_start3A_447 : memref<128xi32, #tpu.memory_space<vmem>>) semaphore(%arg12 : memref<!tpu.dma_semaphore, #tpu.memory_space<semaphore_mem>>) {add = true}
          %mul3A_451 = arith.constant 16 : i32
          %mul3A_452 = arith.muli %add3A_370, %mul3A_451 : i32
          %add3A_453 = arith.constant 8 : i32
          %add3A_454 = arith.addi %mul3A_452, %add3A_453 : i32
          %dma_start3A_455 = arith.constant 0 : i32
          %dma_start3A_456 = tpu.memref_slice %arg8[%add3A_454, %dma_start3A_455] : memref<400x128xi32, #tpu.memory_space<vmem>> -> memref<1x128xi32, #tpu.memory_space<vmem>>
          %dma_start3A_457 = tpu.memref_squeeze %dma_start3A_456 : memref<1x128xi32, #tpu.memory_space<vmem>> -> memref<128xi32, #tpu.memory_space<vmem>>
          %dma_start3A_458 = arith.constant 0 : i32
          %dma_start3A_459 = arith.constant 0 : i32
          %dma_start3A_460 = tpu.memref_slice %arg4[%dma_start3A_458, %dma_start3A_459] : memref<400000x32xf32, #tpu.memory_space<hbm>> -> memref<400000x32xf32, #tpu.memory_space<hbm>>
          tpu.enqueue_indirect_dma source(%dma_start3A_460 : memref<400000x32xf32, #tpu.memory_space<hbm>>) target(%arg10 : memref<128x32xf32, #tpu.memory_space<vmem>>) offsets(%dma_start3A_457 : memref<128xi32, #tpu.memory_space<vmem>>) semaphore(%arg12 : memref<!tpu.dma_semaphore, #tpu.memory_space<semaphore_mem>>) {add = true}
          %mul3A_461 = arith.constant 16 : i32
          %mul3A_462 = arith.muli %add3A_370, %mul3A_461 : i32
          %add3A_463 = arith.constant 9 : i32
          %add3A_464 = arith.addi %mul3A_462, %add3A_463 : i32
          %dma_start3A_465 = arith.constant 0 : i32
          %dma_start3A_466 = tpu.memref_slice %arg8[%add3A_464, %dma_start3A_465] : memref<400x128xi32, #tpu.memory_space<vmem>> -> memref<1x128xi32, #tpu.memory_space<vmem>>
          %dma_start3A_467 = tpu.memref_squeeze %dma_start3A_466 : memref<1x128xi32, #tpu.memory_space<vmem>> -> memref<128xi32, #tpu.memory_space<vmem>>
          %dma_start3A_468 = arith.constant 0 : i32
          %dma_start3A_469 = arith.constant 0 : i32
          %dma_start3A_470 = tpu.memref_slice %arg4[%dma_start3A_468, %dma_start3A_469] : memref<400000x32xf32, #tpu.memory_space<hbm>> -> memref<400000x32xf32, #tpu.memory_space<hbm>>
          tpu.enqueue_indirect_dma source(%dma_start3A_470 : memref<400000x32xf32, #tpu.memory_space<hbm>>) target(%arg10 : memref<128x32xf32, #tpu.memory_space<vmem>>) offsets(%dma_start3A_467 : memref<128xi32, #tpu.memory_space<vmem>>) semaphore(%arg12 : memref<!tpu.dma_semaphore, #tpu.memory_space<semaphore_mem>>) {add = true}
          %mul3A_471 = arith.constant 16 : i32
          %mul3A_472 = arith.muli %add3A_370, %mul3A_471 : i32
          %add3A_473 = arith.constant 10 : i32
          %add3A_474 = arith.addi %mul3A_472, %add3A_473 : i32
          %dma_start3A_475 = arith.constant 0 : i32
          %dma_start3A_476 = tpu.memref_slice %arg8[%add3A_474, %dma_start3A_475] : memref<400x128xi32, #tpu.memory_space<vmem>> -> memref<1x128xi32, #tpu.memory_space<vmem>>
          %dma_start3A_477 = tpu.memref_squeeze %dma_start3A_476 : memref<1x128xi32, #tpu.memory_space<vmem>> -> memref<128xi32, #tpu.memory_space<vmem>>
          %dma_start3A_478 = arith.constant 0 : i32
          %dma_start3A_479 = arith.constant 0 : i32
          %dma_start3A_480 = tpu.memref_slice %arg4[%dma_start3A_478, %dma_start3A_479] : memref<400000x32xf32, #tpu.memory_space<hbm>> -> memref<400000x32xf32, #tpu.memory_space<hbm>>
          tpu.enqueue_indirect_dma source(%dma_start3A_480 : memref<400000x32xf32, #tpu.memory_space<hbm>>) target(%arg10 : memref<128x32xf32, #tpu.memory_space<vmem>>) offsets(%dma_start3A_477 : memref<128xi32, #tpu.memory_space<vmem>>) semaphore(%arg12 : memref<!tpu.dma_semaphore, #tpu.memory_space<semaphore_mem>>) {add = true}
          %mul3A_481 = arith.constant 16 : i32
          %mul3A_482 = arith.muli %add3A_370, %mul3A_481 : i32
          %add3A_483 = arith.constant 11 : i32
          %add3A_484 = arith.addi %mul3A_482, %add3A_483 : i32
          %dma_start3A_485 = arith.constant 0 : i32
          %dma_start3A_486 = tpu.memref_slice %arg8[%add3A_484, %dma_start3A_485] : memref<400x128xi32, #tpu.memory_space<vmem>> -> memref<1x128xi32, #tpu.memory_space<vmem>>
          %dma_start3A_487 = tpu.memref_squeeze %dma_start3A_486 : memref<1x128xi32, #tpu.memory_space<vmem>> -> memref<128xi32, #tpu.memory_space<vmem>>
          %dma_start3A_488 = arith.constant 0 : i32
          %dma_start3A_489 = arith.constant 0 : i32
          %dma_start3A_490 = tpu.memref_slice %arg4[%dma_start3A_488, %dma_start3A_489] : memref<400000x32xf32, #tpu.memory_space<hbm>> -> memref<400000x32xf32, #tpu.memory_space<hbm>>
          tpu.enqueue_indirect_dma source(%dma_start3A_490 : memref<400000x32xf32, #tpu.memory_space<hbm>>) target(%arg10 : memref<128x32xf32, #tpu.memory_space<vmem>>) offsets(%dma_start3A_487 : memref<128xi32, #tpu.memory_space<vmem>>) semaphore(%arg12 : memref<!tpu.dma_semaphore, #tpu.memory_space<semaphore_mem>>) {add = true}
          %mul3A_491 = arith.constant 16 : i32
          %mul3A_492 = arith.muli %add3A_370, %mul3A_491 : i32
          %add3A_493 = arith.constant 12 : i32
          %add3A_494 = arith.addi %mul3A_492, %add3A_493 : i32
          %dma_start3A_495 = arith.constant 0 : i32
          %dma_start3A_496 = tpu.memref_slice %arg8[%add3A_494, %dma_start3A_495] : memref<400x128xi32, #tpu.memory_space<vmem>> -> memref<1x128xi32, #tpu.memory_space<vmem>>
          %dma_start3A_497 = tpu.memref_squeeze %dma_start3A_496 : memref<1x128xi32, #tpu.memory_space<vmem>> -> memref<128xi32, #tpu.memory_space<vmem>>
          %dma_start3A_498 = arith.constant 0 : i32
          %dma_start3A_499 = arith.constant 0 : i32
          %dma_start3A_500 = tpu.memref_slice %arg5[%dma_start3A_498, %dma_start3A_499] : memref<400000x32xf32, #tpu.memory_space<hbm>> -> memref<400000x32xf32, #tpu.memory_space<hbm>>
          tpu.enqueue_indirect_dma source(%dma_start3A_500 : memref<400000x32xf32, #tpu.memory_space<hbm>>) target(%arg10 : memref<128x32xf32, #tpu.memory_space<vmem>>) offsets(%dma_start3A_497 : memref<128xi32, #tpu.memory_space<vmem>>) semaphore(%arg12 : memref<!tpu.dma_semaphore, #tpu.memory_space<semaphore_mem>>) {add = true}
          %mul3A_501 = arith.constant 16 : i32
          %mul3A_502 = arith.muli %add3A_370, %mul3A_501 : i32
          %add3A_503 = arith.constant 13 : i32
          %add3A_504 = arith.addi %mul3A_502, %add3A_503 : i32
          %dma_start3A_505 = arith.constant 0 : i32
          %dma_start3A_506 = tpu.memref_slice %arg8[%add3A_504, %dma_start3A_505] : memref<400x128xi32, #tpu.memory_space<vmem>> -> memref<1x128xi32, #tpu.memory_space<vmem>>
          %dma_start3A_507 = tpu.memref_squeeze %dma_start3A_506 : memref<1x128xi32, #tpu.memory_space<vmem>> -> memref<128xi32, #tpu.memory_space<vmem>>
          %dma_start3A_508 = arith.constant 0 : i32
          %dma_start3A_509 = arith.constant 0 : i32
          %dma_start3A_510 = tpu.memref_slice %arg5[%dma_start3A_508, %dma_start3A_509] : memref<400000x32xf32, #tpu.memory_space<hbm>> -> memref<400000x32xf32, #tpu.memory_space<hbm>>
          tpu.enqueue_indirect_dma source(%dma_start3A_510 : memref<400000x32xf32, #tpu.memory_space<hbm>>) target(%arg10 : memref<128x32xf32, #tpu.memory_space<vmem>>) offsets(%dma_start3A_507 : memref<128xi32, #tpu.memory_space<vmem>>) semaphore(%arg12 : memref<!tpu.dma_semaphore, #tpu.memory_space<semaphore_mem>>) {add = true}
          %mul3A_511 = arith.constant 16 : i32
          %mul3A_512 = arith.muli %add3A_370, %mul3A_511 : i32
          %add3A_513 = arith.constant 14 : i32
          %add3A_514 = arith.addi %mul3A_512, %add3A_513 : i32
          %dma_start3A_515 = arith.constant 0 : i32
          %dma_start3A_516 = tpu.memref_slice %arg8[%add3A_514, %dma_start3A_515] : memref<400x128xi32, #tpu.memory_space<vmem>> -> memref<1x128xi32, #tpu.memory_space<vmem>>
          %dma_start3A_517 = tpu.memref_squeeze %dma_start3A_516 : memref<1x128xi32, #tpu.memory_space<vmem>> -> memref<128xi32, #tpu.memory_space<vmem>>
          %dma_start3A_518 = arith.constant 0 : i32
          %dma_start3A_519 = arith.constant 0 : i32
          %dma_start3A_520 = tpu.memref_slice %arg5[%dma_start3A_518, %dma_start3A_519] : memref<400000x32xf32, #tpu.memory_space<hbm>> -> memref<400000x32xf32, #tpu.memory_space<hbm>>
          tpu.enqueue_indirect_dma source(%dma_start3A_520 : memref<400000x32xf32, #tpu.memory_space<hbm>>) target(%arg10 : memref<128x32xf32, #tpu.memory_space<vmem>>) offsets(%dma_start3A_517 : memref<128xi32, #tpu.memory_space<vmem>>) semaphore(%arg12 : memref<!tpu.dma_semaphore, #tpu.memory_space<semaphore_mem>>) {add = true}
          %mul3A_521 = arith.constant 16 : i32
          %mul3A_522 = arith.muli %add3A_370, %mul3A_521 : i32
          %add3A_523 = arith.constant 15 : i32
          %add3A_524 = arith.addi %mul3A_522, %add3A_523 : i32
          %dma_start3A_525 = arith.constant 0 : i32
          %dma_start3A_526 = tpu.memref_slice %arg8[%add3A_524, %dma_start3A_525] : memref<400x128xi32, #tpu.memory_space<vmem>> -> memref<1x128xi32, #tpu.memory_space<vmem>>
          %dma_start3A_527 = tpu.memref_squeeze %dma_start3A_526 : memref<1x128xi32, #tpu.memory_space<vmem>> -> memref<128xi32, #tpu.memory_space<vmem>>
          %dma_start3A_528 = arith.constant 0 : i32
          %dma_start3A_529 = arith.constant 0 : i32
          %dma_start3A_530 = tpu.memref_slice %arg5[%dma_start3A_528, %dma_start3A_529] : memref<400000x32xf32, #tpu.memory_space<hbm>> -> memref<400000x32xf32, #tpu.memory_space<hbm>>
          tpu.enqueue_indirect_dma source(%dma_start3A_530 : memref<400000x32xf32, #tpu.memory_space<hbm>>) target(%arg10 : memref<128x32xf32, #tpu.memory_space<vmem>>) offsets(%dma_start3A_527 : memref<128xi32, #tpu.memory_space<vmem>>) semaphore(%arg12 : memref<!tpu.dma_semaphore, #tpu.memory_space<semaphore_mem>>) {add = true}
        } else {
        }
        %dma_wait3A = arith.constant 0 : i32
        %dma_wait3A_253 = arith.constant 0 : i32
        %dma_wait3A_254 = tpu.memref_slice %arg2[%dma_wait3A, %dma_wait3A_253] : memref<400000x32xf32, #tpu.memory_space<hbm>> -> memref<128x32xf32, #tpu.memory_space<hbm>>
        %dma_wait3A_255 = arith.constant 0 : i32
        %dma_wait3A_256 = arith.constant 0 : i32
        %dma_wait3A_257 = tpu.memref_slice %arg2[%dma_wait3A_255, %dma_wait3A_256] : memref<400000x32xf32, #tpu.memory_space<hbm>> -> memref<128x32xf32, #tpu.memory_space<hbm>>
        tpu.wait_dma2 semaphore(%arg11 : memref<!tpu.dma_semaphore, #tpu.memory_space<semaphore_mem>>) src(%dma_wait3A_257 : memref<128x32xf32, #tpu.memory_space<hbm>>) dst(%arg9 : memref<128x32xf32, #tpu.memory_space<vmem>>)
        %dma_wait3A_258 = arith.constant 0 : i32
        %dma_wait3A_259 = arith.constant 0 : i32
        %dma_wait3A_260 = tpu.memref_slice %arg2[%dma_wait3A_258, %dma_wait3A_259] : memref<400000x32xf32, #tpu.memory_space<hbm>> -> memref<128x32xf32, #tpu.memory_space<hbm>>
        %dma_wait3A_261 = arith.constant 0 : i32
        %dma_wait3A_262 = arith.constant 0 : i32
        %dma_wait3A_263 = tpu.memref_slice %arg2[%dma_wait3A_261, %dma_wait3A_262] : memref<400000x32xf32, #tpu.memory_space<hbm>> -> memref<128x32xf32, #tpu.memory_space<hbm>>
        tpu.wait_dma2 semaphore(%arg11 : memref<!tpu.dma_semaphore, #tpu.memory_space<semaphore_mem>>) src(%dma_wait3A_263 : memref<128x32xf32, #tpu.memory_space<hbm>>) dst(%arg9 : memref<128x32xf32, #tpu.memory_space<vmem>>)
        %dma_wait3A_264 = arith.constant 0 : i32
        %dma_wait3A_265 = arith.constant 0 : i32
        %dma_wait3A_266 = tpu.memref_slice %arg2[%dma_wait3A_264, %dma_wait3A_265] : memref<400000x32xf32, #tpu.memory_space<hbm>> -> memref<128x32xf32, #tpu.memory_space<hbm>>
        %dma_wait3A_267 = arith.constant 0 : i32
        %dma_wait3A_268 = arith.constant 0 : i32
        %dma_wait3A_269 = tpu.memref_slice %arg2[%dma_wait3A_267, %dma_wait3A_268] : memref<400000x32xf32, #tpu.memory_space<hbm>> -> memref<128x32xf32, #tpu.memory_space<hbm>>
        tpu.wait_dma2 semaphore(%arg11 : memref<!tpu.dma_semaphore, #tpu.memory_space<semaphore_mem>>) src(%dma_wait3A_269 : memref<128x32xf32, #tpu.memory_space<hbm>>) dst(%arg9 : memref<128x32xf32, #tpu.memory_space<vmem>>)
        %dma_wait3A_270 = arith.constant 0 : i32
        %dma_wait3A_271 = arith.constant 0 : i32
        %dma_wait3A_272 = tpu.memref_slice %arg2[%dma_wait3A_270, %dma_wait3A_271] : memref<400000x32xf32, #tpu.memory_space<hbm>> -> memref<128x32xf32, #tpu.memory_space<hbm>>
        %dma_wait3A_273 = arith.constant 0 : i32
        %dma_wait3A_274 = arith.constant 0 : i32
        %dma_wait3A_275 = tpu.memref_slice %arg2[%dma_wait3A_273, %dma_wait3A_274] : memref<400000x32xf32, #tpu.memory_space<hbm>> -> memref<128x32xf32, #tpu.memory_space<hbm>>
        tpu.wait_dma2 semaphore(%arg11 : memref<!tpu.dma_semaphore, #tpu.memory_space<semaphore_mem>>) src(%dma_wait3A_275 : memref<128x32xf32, #tpu.memory_space<hbm>>) dst(%arg9 : memref<128x32xf32, #tpu.memory_space<vmem>>)
        %dma_wait3A_276 = arith.constant 0 : i32
        %dma_wait3A_277 = arith.constant 0 : i32
        %dma_wait3A_278 = tpu.memref_slice %arg2[%dma_wait3A_276, %dma_wait3A_277] : memref<400000x32xf32, #tpu.memory_space<hbm>> -> memref<128x32xf32, #tpu.memory_space<hbm>>
        %dma_wait3A_279 = arith.constant 0 : i32
        %dma_wait3A_280 = arith.constant 0 : i32
        %dma_wait3A_281 = tpu.memref_slice %arg2[%dma_wait3A_279, %dma_wait3A_280] : memref<400000x32xf32, #tpu.memory_space<hbm>> -> memref<128x32xf32, #tpu.memory_space<hbm>>
        tpu.wait_dma2 semaphore(%arg11 : memref<!tpu.dma_semaphore, #tpu.memory_space<semaphore_mem>>) src(%dma_wait3A_281 : memref<128x32xf32, #tpu.memory_space<hbm>>) dst(%arg9 : memref<128x32xf32, #tpu.memory_space<vmem>>)
        %dma_wait3A_282 = arith.constant 0 : i32
        %dma_wait3A_283 = arith.constant 0 : i32
        %dma_wait3A_284 = tpu.memref_slice %arg2[%dma_wait3A_282, %dma_wait3A_283] : memref<400000x32xf32, #tpu.memory_space<hbm>> -> memref<128x32xf32, #tpu.memory_space<hbm>>
        %dma_wait3A_285 = arith.constant 0 : i32
        %dma_wait3A_286 = arith.constant 0 : i32
        %dma_wait3A_287 = tpu.memref_slice %arg2[%dma_wait3A_285, %dma_wait3A_286] : memref<400000x32xf32, #tpu.memory_space<hbm>> -> memref<128x32xf32, #tpu.memory_space<hbm>>
        tpu.wait_dma2 semaphore(%arg11 : memref<!tpu.dma_semaphore, #tpu.memory_space<semaphore_mem>>) src(%dma_wait3A_287 : memref<128x32xf32, #tpu.memory_space<hbm>>) dst(%arg9 : memref<128x32xf32, #tpu.memory_space<vmem>>)
        %dma_wait3A_288 = arith.constant 0 : i32
        %dma_wait3A_289 = arith.constant 0 : i32
        %dma_wait3A_290 = tpu.memref_slice %arg2[%dma_wait3A_288, %dma_wait3A_289] : memref<400000x32xf32, #tpu.memory_space<hbm>> -> memref<128x32xf32, #tpu.memory_space<hbm>>
        %dma_wait3A_291 = arith.constant 0 : i32
        %dma_wait3A_292 = arith.constant 0 : i32
        %dma_wait3A_293 = tpu.memref_slice %arg2[%dma_wait3A_291, %dma_wait3A_292] : memref<400000x32xf32, #tpu.memory_space<hbm>> -> memref<128x32xf32, #tpu.memory_space<hbm>>
        tpu.wait_dma2 semaphore(%arg11 : memref<!tpu.dma_semaphore, #tpu.memory_space<semaphore_mem>>) src(%dma_wait3A_293 : memref<128x32xf32, #tpu.memory_space<hbm>>) dst(%arg9 : memref<128x32xf32, #tpu.memory_space<vmem>>)
        %dma_wait3A_294 = arith.constant 0 : i32
        %dma_wait3A_295 = arith.constant 0 : i32
        %dma_wait3A_296 = tpu.memref_slice %arg2[%dma_wait3A_294, %dma_wait3A_295] : memref<400000x32xf32, #tpu.memory_space<hbm>> -> memref<128x32xf32, #tpu.memory_space<hbm>>
        %dma_wait3A_297 = arith.constant 0 : i32
        %dma_wait3A_298 = arith.constant 0 : i32
        %dma_wait3A_299 = tpu.memref_slice %arg2[%dma_wait3A_297, %dma_wait3A_298] : memref<400000x32xf32, #tpu.memory_space<hbm>> -> memref<128x32xf32, #tpu.memory_space<hbm>>
        tpu.wait_dma2 semaphore(%arg11 : memref<!tpu.dma_semaphore, #tpu.memory_space<semaphore_mem>>) src(%dma_wait3A_299 : memref<128x32xf32, #tpu.memory_space<hbm>>) dst(%arg9 : memref<128x32xf32, #tpu.memory_space<vmem>>)
        %dma_wait3A_300 = arith.constant 0 : i32
        %dma_wait3A_301 = arith.constant 0 : i32
        %dma_wait3A_302 = tpu.memref_slice %arg2[%dma_wait3A_300, %dma_wait3A_301] : memref<400000x32xf32, #tpu.memory_space<hbm>> -> memref<128x32xf32, #tpu.memory_space<hbm>>
        %dma_wait3A_303 = arith.constant 0 : i32
        %dma_wait3A_304 = arith.constant 0 : i32
        %dma_wait3A_305 = tpu.memref_slice %arg2[%dma_wait3A_303, %dma_wait3A_304] : memref<400000x32xf32, #tpu.memory_space<hbm>> -> memref<128x32xf32, #tpu.memory_space<hbm>>
        tpu.wait_dma2 semaphore(%arg11 : memref<!tpu.dma_semaphore, #tpu.memory_space<semaphore_mem>>) src(%dma_wait3A_305 : memref<128x32xf32, #tpu.memory_space<hbm>>) dst(%arg9 : memref<128x32xf32, #tpu.memory_space<vmem>>)
        %dma_wait3A_306 = arith.constant 0 : i32
        %dma_wait3A_307 = arith.constant 0 : i32
        %dma_wait3A_308 = tpu.memref_slice %arg2[%dma_wait3A_306, %dma_wait3A_307] : memref<400000x32xf32, #tpu.memory_space<hbm>> -> memref<128x32xf32, #tpu.memory_space<hbm>>
        %dma_wait3A_309 = arith.constant 0 : i32
        %dma_wait3A_310 = arith.constant 0 : i32
        %dma_wait3A_311 = tpu.memref_slice %arg2[%dma_wait3A_309, %dma_wait3A_310] : memref<400000x32xf32, #tpu.memory_space<hbm>> -> memref<128x32xf32, #tpu.memory_space<hbm>>
        tpu.wait_dma2 semaphore(%arg11 : memref<!tpu.dma_semaphore, #tpu.memory_space<semaphore_mem>>) src(%dma_wait3A_311 : memref<128x32xf32, #tpu.memory_space<hbm>>) dst(%arg9 : memref<128x32xf32, #tpu.memory_space<vmem>>)
        %dma_wait3A_312 = arith.constant 0 : i32
        %dma_wait3A_313 = arith.constant 0 : i32
        %dma_wait3A_314 = tpu.memref_slice %arg2[%dma_wait3A_312, %dma_wait3A_313] : memref<400000x32xf32, #tpu.memory_space<hbm>> -> memref<128x32xf32, #tpu.memory_space<hbm>>
        %dma_wait3A_315 = arith.constant 0 : i32
        %dma_wait3A_316 = arith.constant 0 : i32
        %dma_wait3A_317 = tpu.memref_slice %arg2[%dma_wait3A_315, %dma_wait3A_316] : memref<400000x32xf32, #tpu.memory_space<hbm>> -> memref<128x32xf32, #tpu.memory_space<hbm>>
        tpu.wait_dma2 semaphore(%arg11 : memref<!tpu.dma_semaphore, #tpu.memory_space<semaphore_mem>>) src(%dma_wait3A_317 : memref<128x32xf32, #tpu.memory_space<hbm>>) dst(%arg9 : memref<128x32xf32, #tpu.memory_space<vmem>>)
        %dma_wait3A_318 = arith.constant 0 : i32
        %dma_wait3A_319 = arith.constant 0 : i32
        %dma_wait3A_320 = tpu.memref_slice %arg2[%dma_wait3A_318, %dma_wait3A_319] : memref<400000x32xf32, #tpu.memory_space<hbm>> -> memref<128x32xf32, #tpu.memory_space<hbm>>
        %dma_wait3A_321 = arith.constant 0 : i32
        %dma_wait3A_322 = arith.constant 0 : i32
        %dma_wait3A_323 = tpu.memref_slice %arg2[%dma_wait3A_321, %dma_wait3A_322] : memref<400000x32xf32, #tpu.memory_space<hbm>> -> memref<128x32xf32, #tpu.memory_space<hbm>>
        tpu.wait_dma2 semaphore(%arg11 : memref<!tpu.dma_semaphore, #tpu.memory_space<semaphore_mem>>) src(%dma_wait3A_323 : memref<128x32xf32, #tpu.memory_space<hbm>>) dst(%arg9 : memref<128x32xf32, #tpu.memory_space<vmem>>)
        %dma_wait3A_324 = arith.constant 0 : i32
        %dma_wait3A_325 = arith.constant 0 : i32
        %dma_wait3A_326 = tpu.memref_slice %arg2[%dma_wait3A_324, %dma_wait3A_325] : memref<400000x32xf32, #tpu.memory_space<hbm>> -> memref<128x32xf32, #tpu.memory_space<hbm>>
        %dma_wait3A_327 = arith.constant 0 : i32
        %dma_wait3A_328 = arith.constant 0 : i32
        %dma_wait3A_329 = tpu.memref_slice %arg2[%dma_wait3A_327, %dma_wait3A_328] : memref<400000x32xf32, #tpu.memory_space<hbm>> -> memref<128x32xf32, #tpu.memory_space<hbm>>
        tpu.wait_dma2 semaphore(%arg11 : memref<!tpu.dma_semaphore, #tpu.memory_space<semaphore_mem>>) src(%dma_wait3A_329 : memref<128x32xf32, #tpu.memory_space<hbm>>) dst(%arg9 : memref<128x32xf32, #tpu.memory_space<vmem>>)
        %dma_wait3A_330 = arith.constant 0 : i32
        %dma_wait3A_331 = arith.constant 0 : i32
        %dma_wait3A_332 = tpu.memref_slice %arg2[%dma_wait3A_330, %dma_wait3A_331] : memref<400000x32xf32, #tpu.memory_space<hbm>> -> memref<128x32xf32, #tpu.memory_space<hbm>>
        %dma_wait3A_333 = arith.constant 0 : i32
        %dma_wait3A_334 = arith.constant 0 : i32
        %dma_wait3A_335 = tpu.memref_slice %arg2[%dma_wait3A_333, %dma_wait3A_334] : memref<400000x32xf32, #tpu.memory_space<hbm>> -> memref<128x32xf32, #tpu.memory_space<hbm>>
        tpu.wait_dma2 semaphore(%arg11 : memref<!tpu.dma_semaphore, #tpu.memory_space<semaphore_mem>>) src(%dma_wait3A_335 : memref<128x32xf32, #tpu.memory_space<hbm>>) dst(%arg9 : memref<128x32xf32, #tpu.memory_space<vmem>>)
        %dma_wait3A_336 = arith.constant 0 : i32
        %dma_wait3A_337 = arith.constant 0 : i32
        %dma_wait3A_338 = tpu.memref_slice %arg2[%dma_wait3A_336, %dma_wait3A_337] : memref<400000x32xf32, #tpu.memory_space<hbm>> -> memref<128x32xf32, #tpu.memory_space<hbm>>
        %dma_wait3A_339 = arith.constant 0 : i32
        %dma_wait3A_340 = arith.constant 0 : i32
        %dma_wait3A_341 = tpu.memref_slice %arg2[%dma_wait3A_339, %dma_wait3A_340] : memref<400000x32xf32, #tpu.memory_space<hbm>> -> memref<128x32xf32, #tpu.memory_space<hbm>>
        tpu.wait_dma2 semaphore(%arg11 : memref<!tpu.dma_semaphore, #tpu.memory_space<semaphore_mem>>) src(%dma_wait3A_341 : memref<128x32xf32, #tpu.memory_space<hbm>>) dst(%arg9 : memref<128x32xf32, #tpu.memory_space<vmem>>)
        %dma_wait3A_342 = arith.constant 0 : i32
        %dma_wait3A_343 = arith.constant 0 : i32
        %dma_wait3A_344 = tpu.memref_slice %arg2[%dma_wait3A_342, %dma_wait3A_343] : memref<400000x32xf32, #tpu.memory_space<hbm>> -> memref<128x32xf32, #tpu.memory_space<hbm>>
        %dma_wait3A_345 = arith.constant 0 : i32
        %dma_wait3A_346 = arith.constant 0 : i32
        %dma_wait3A_347 = tpu.memref_slice %arg2[%dma_wait3A_345, %dma_wait3A_346] : memref<400000x32xf32, #tpu.memory_space<hbm>> -> memref<128x32xf32, #tpu.memory_space<hbm>>
        tpu.wait_dma2 semaphore(%arg11 : memref<!tpu.dma_semaphore, #tpu.memory_space<semaphore_mem>>) src(%dma_wait3A_347 : memref<128x32xf32, #tpu.memory_space<hbm>>) dst(%arg9 : memref<128x32xf32, #tpu.memory_space<vmem>>)
        %add3A_348 = arith.addi %select_n3A, %add3A_234 : i32
        %eq3A_349 = arith.constant 781 : i32
        %eq3A_350 = arith.cmpi eq, %add3A_348, %eq3A_349 : i32
        %convert_element_type3A_351 = arith.extui %eq3A_350 : i1 to i32
        %cond3A_352 = arith.constant 0 : i32
        %cond3A_353 = arith.cmpi ne, %convert_element_type3A_351, %cond3A_352 : i32
        scf.if %cond3A_353 {
          %dma_start3A_359 = arith.constant 0 : i32
          %dma_start3A_360 = arith.constant 0 : i32
          %dma_start3A_361 = tpu.memref_slice %arg9[%dma_start3A_359, %dma_start3A_360] : memref<128x32xf32, #tpu.memory_space<vmem>> -> memref<32x32xf32, #tpu.memory_space<vmem>>
          %dma_start3A_362 = arith.constant 99968 : i32
          %dma_start3A_363 = arith.constant 0 : i32
          %dma_start3A_364 = tpu.memref_slice %arg7[%dma_start3A_362, %dma_start3A_363] : memref<100000x128xf32, #tpu.memory_space<hbm>> -> memref<32x32xf32, #tpu.memory_space<hbm>>
          %dma_start3A_365 = arith.constant 99968 : i32
          %dma_start3A_366 = arith.constant 0 : i32
          %dma_start3A_367 = tpu.memref_slice %arg7[%dma_start3A_365, %dma_start3A_366] : memref<100000x128xf32, #tpu.memory_space<hbm>> -> memref<32x32xf32, #tpu.memory_space<hbm>>
          %dma_start3A_368 = arith.constant 0 : i32
          %dma_start3A_369 = arith.constant 0 : i32
          %dma_start3A_370 = tpu.memref_slice %arg9[%dma_start3A_368, %dma_start3A_369] : memref<128x32xf32, #tpu.memory_space<vmem>> -> memref<32x32xf32, #tpu.memory_space<vmem>>
          tpu.enqueue_dma source(%dma_start3A_370 : memref<32x32xf32, #tpu.memory_space<vmem>>) target(%dma_start3A_367 : memref<32x32xf32, #tpu.memory_space<hbm>>) target_semaphore(%arg13 : memref<!tpu.dma_semaphore, #tpu.memory_space<semaphore_mem>>)
        } else {
        }
        %ne3A_354 = arith.constant 781 : i32
        %ne3A_355 = arith.cmpi ne, %add3A_348, %ne3A_354 : i32
        %convert_element_type3A_356 = arith.extui %ne3A_355 : i1 to i32
        %cond3A_357 = arith.constant 0 : i32
        %cond3A_358 = arith.cmpi ne, %convert_element_type3A_356, %cond3A_357 : i32
        scf.if %cond3A_358 {
          %mul3A_359 = arith.constant 128 : i32
          %mul3A_360 = arith.muli %add3A_348, %mul3A_359 : i32
          %dma_start3A_361 = arith.constant 0 : i32
          %dma_start3A_362 = tpu.memref_slice %arg7[%mul3A_360, %dma_start3A_361] : memref<100000x128xf32, #tpu.memory_space<hbm>> -> memref<128x32xf32, #tpu.memory_space<hbm>>
          %dma_start3A_363 = arith.constant 0 : i32
          %dma_start3A_364 = tpu.memref_slice %arg7[%mul3A_360, %dma_start3A_363] : memref<100000x128xf32, #tpu.memory_space<hbm>> -> memref<128x32xf32, #tpu.memory_space<hbm>>
          tpu.enqueue_dma source(%arg9 : memref<128x32xf32, #tpu.memory_space<vmem>>) target(%dma_start3A_364 : memref<128x32xf32, #tpu.memory_space<hbm>>) target_semaphore(%arg13 : memref<!tpu.dma_semaphore, #tpu.memory_space<semaphore_mem>>)
        } else {
        }
      } else {
      }
      %mul3A_239 = arith.constant 2 : i32
      %mul3A_240 = arith.muli %scan3A_230, %mul3A_239 : i32
      %add3A_241 = arith.constant 1 : i32
      %add3A_242 = arith.addi %mul3A_240, %add3A_241 : i32
      %lt3A_243 = arith.cmpi slt, %add3A_242, %sub3A_47 : i32
      %convert_element_type3A_244 = arith.extui %lt3A_243 : i1 to i32
      %cond3A_245 = arith.constant 0 : i32
      %cond3A_246 = arith.cmpi ne, %convert_element_type3A_244, %cond3A_245 : i32
      scf.if %cond3A_246 {
        %add3A_247 = arith.constant 1 : i32
        %add3A_248 = arith.addi %add3A_242, %add3A_247 : i32
        %lt3A_249 = arith.cmpi slt, %add3A_248, %sub3A_47 : i32
        %convert_element_type3A_250 = arith.extui %lt3A_249 : i1 to i32
        %cond3A_251 = arith.constant 0 : i32
        %cond3A_252 = arith.cmpi ne, %convert_element_type3A_250, %cond3A_251 : i32
        scf.if %cond3A_252 {
          %ge3A = arith.constant 1 : i32
          %ge3A_359 = arith.cmpi sge, %add3A_242, %ge3A : i32
          %convert_element_type3A_360 = arith.extui %ge3A_359 : i1 to i32
          %cond3A_361 = arith.constant 0 : i32
          %cond3A_362 = arith.cmpi ne, %convert_element_type3A_360, %cond3A_361 : i32
          scf.if %cond3A_362 {
            %dma_wait3A_531 = arith.constant 0 : i32
            %dma_wait3A_532 = arith.constant 0 : i32
            %dma_wait3A_533 = tpu.memref_slice %arg7[%dma_wait3A_531, %dma_wait3A_532] : memref<100000x128xf32, #tpu.memory_space<hbm>> -> memref<128x32xf32, #tpu.memory_space<hbm>>
            %dma_wait3A_534 = arith.constant 0 : i32
            %dma_wait3A_535 = arith.constant 0 : i32
            %dma_wait3A_536 = tpu.memref_slice %arg7[%dma_wait3A_534, %dma_wait3A_535] : memref<100000x128xf32, #tpu.memory_space<hbm>> -> memref<128x32xf32, #tpu.memory_space<hbm>>
            tpu.wait_dma2 semaphore(%arg13 : memref<!tpu.dma_semaphore, #tpu.memory_space<semaphore_mem>>) src(%arg9 : memref<128x32xf32, #tpu.memory_space<vmem>>) dst(%dma_wait3A_536 : memref<128x32xf32, #tpu.memory_space<hbm>>)
          } else {
          }
          %scan3A_363 = arith.constant 0 : i32
          %scan3A_364 = arith.constant 0 : i32
          %scan3A_365 = arith.constant 128 : i32
          %scan3A_366 = arith.addi %scan3A_364, %scan3A_365 : i32
          %scan3A_367 = arith.constant 1 : i32
          scf.for %scan3A_531 = %scan3A_364 to %scan3A_366 step %scan3A_367  : i32 {
            %swap3A = arith.index_cast %scan3A_531 : i32 to index
            %swap3A_532 = arith.constant 0 : index
            %swap3A_533 = tpu.vector_load %arg9[%swap3A, %swap3A_532] {strides = array<i32>} : memref<128x32xf32, #tpu.memory_space<vmem>>, vector<1x16xf32>,
            %swap3A_534 = vector.shape_cast %swap3A_533 : vector<1x16xf32> to vector<16xf32>
            %swap3A_535 = vector.shape_cast %broadcast_in_dim3A_48 : vector<16xf32> to vector<1x16xf32>
            tpu.vector_store %arg9[%swap3A, %swap3A_532], %swap3A_535 {strides = array<i32>} : memref<128x32xf32, #tpu.memory_space<vmem>>, vector<1x16xf32>,
            %swap3A_536 = arith.index_cast %scan3A_531 : i32 to index
            %swap3A_537 = arith.constant 16 : index
            %swap3A_538 = tpu.vector_load %arg9[%swap3A_536, %swap3A_537] {strides = array<i32>} : memref<128x32xf32, #tpu.memory_space<vmem>>, vector<1x16xf32>,
            %swap3A_539 = vector.shape_cast %swap3A_538 : vector<1x16xf32> to vector<16xf32>
            %swap3A_540 = vector.shape_cast %broadcast_in_dim3A_48 : vector<16xf32> to vector<1x16xf32>
            tpu.vector_store %arg9[%swap3A_536, %swap3A_537], %swap3A_540 {strides = array<i32>} : memref<128x32xf32, #tpu.memory_space<vmem>>, vector<1x16xf32>,
          }
          %scan3A_368 = arith.constant 128 : i32
          %add3A_369 = arith.constant 1 : i32
          %add3A_370 = arith.addi %add3A_242, %add3A_369 : i32
          %mul3A_371 = arith.constant 16 : i32
          %mul3A_372 = arith.muli %add3A_370, %mul3A_371 : i32
          %add3A_373 = arith.constant 0 : i32
          %add3A_374 = arith.addi %mul3A_372, %add3A_373 : i32
          %dma_start3A_375 = arith.constant 0 : i32
          %dma_start3A_376 = tpu.memref_slice %arg8[%add3A_374, %dma_start3A_375] : memref<400x128xi32, #tpu.memory_space<vmem>> -> memref<1x128xi32, #tpu.memory_space<vmem>>
          %dma_start3A_377 = tpu.memref_squeeze %dma_start3A_376 : memref<1x128xi32, #tpu.memory_space<vmem>> -> memref<128xi32, #tpu.memory_space<vmem>>
          %dma_start3A_378 = arith.constant 0 : i32
          %dma_start3A_379 = arith.constant 0 : i32
          %dma_start3A_380 = tpu.memref_slice %arg2[%dma_start3A_378, %dma_start3A_379] : memref<400000x32xf32, #tpu.memory_space<hbm>> -> memref<400000x32xf32, #tpu.memory_space<hbm>>
          tpu.enqueue_indirect_dma source(%dma_start3A_380 : memref<400000x32xf32, #tpu.memory_space<hbm>>) target(%arg9 : memref<128x32xf32, #tpu.memory_space<vmem>>) offsets(%dma_start3A_377 : memref<128xi32, #tpu.memory_space<vmem>>) semaphore(%arg11 : memref<!tpu.dma_semaphore, #tpu.memory_space<semaphore_mem>>) {add = true}
          %mul3A_381 = arith.constant 16 : i32
          %mul3A_382 = arith.muli %add3A_370, %mul3A_381 : i32
          %add3A_383 = arith.constant 1 : i32
          %add3A_384 = arith.addi %mul3A_382, %add3A_383 : i32
          %dma_start3A_385 = arith.constant 0 : i32
          %dma_start3A_386 = tpu.memref_slice %arg8[%add3A_384, %dma_start3A_385] : memref<400x128xi32, #tpu.memory_space<vmem>> -> memref<1x128xi32, #tpu.memory_space<vmem>>
          %dma_start3A_387 = tpu.memref_squeeze %dma_start3A_386 : memref<1x128xi32, #tpu.memory_space<vmem>> -> memref<128xi32, #tpu.memory_space<vmem>>
          %dma_start3A_388 = arith.constant 0 : i32
          %dma_start3A_389 = arith.constant 0 : i32
          %dma_start3A_390 = tpu.memref_slice %arg2[%dma_start3A_388, %dma_start3A_389] : memref<400000x32xf32, #tpu.memory_space<hbm>> -> memref<400000x32xf32, #tpu.memory_space<hbm>>
          tpu.enqueue_indirect_dma source(%dma_start3A_390 : memref<400000x32xf32, #tpu.memory_space<hbm>>) target(%arg9 : memref<128x32xf32, #tpu.memory_space<vmem>>) offsets(%dma_start3A_387 : memref<128xi32, #tpu.memory_space<vmem>>) semaphore(%arg11 : memref<!tpu.dma_semaphore, #tpu.memory_space<semaphore_mem>>) {add = true}
          %mul3A_391 = arith.constant 16 : i32
          %mul3A_392 = arith.muli %add3A_370, %mul3A_391 : i32
          %add3A_393 = arith.constant 2 : i32
          %add3A_394 = arith.addi %mul3A_392, %add3A_393 : i32
          %dma_start3A_395 = arith.constant 0 : i32
          %dma_start3A_396 = tpu.memref_slice %arg8[%add3A_394, %dma_start3A_395] : memref<400x128xi32, #tpu.memory_space<vmem>> -> memref<1x128xi32, #tpu.memory_space<vmem>>
          %dma_start3A_397 = tpu.memref_squeeze %dma_start3A_396 : memref<1x128xi32, #tpu.memory_space<vmem>> -> memref<128xi32, #tpu.memory_space<vmem>>
          %dma_start3A_398 = arith.constant 0 : i32
          %dma_start3A_399 = arith.constant 0 : i32
          %dma_start3A_400 = tpu.memref_slice %arg2[%dma_start3A_398, %dma_start3A_399] : memref<400000x32xf32, #tpu.memory_space<hbm>> -> memref<400000x32xf32, #tpu.memory_space<hbm>>
          tpu.enqueue_indirect_dma source(%dma_start3A_400 : memref<400000x32xf32, #tpu.memory_space<hbm>>) target(%arg9 : memref<128x32xf32, #tpu.memory_space<vmem>>) offsets(%dma_start3A_397 : memref<128xi32, #tpu.memory_space<vmem>>) semaphore(%arg11 : memref<!tpu.dma_semaphore, #tpu.memory_space<semaphore_mem>>) {add = true}
          %mul3A_401 = arith.constant 16 : i32
          %mul3A_402 = arith.muli %add3A_370, %mul3A_401 : i32
          %add3A_403 = arith.constant 3 : i32
          %add3A_404 = arith.addi %mul3A_402, %add3A_403 : i32
          %dma_start3A_405 = arith.constant 0 : i32
          %dma_start3A_406 = tpu.memref_slice %arg8[%add3A_404, %dma_start3A_405] : memref<400x128xi32, #tpu.memory_space<vmem>> -> memref<1x128xi32, #tpu.memory_space<vmem>>
          %dma_start3A_407 = tpu.memref_squeeze %dma_start3A_406 : memref<1x128xi32, #tpu.memory_space<vmem>> -> memref<128xi32, #tpu.memory_space<vmem>>
          %dma_start3A_408 = arith.constant 0 : i32
          %dma_start3A_409 = arith.constant 0 : i32
          %dma_start3A_410 = tpu.memref_slice %arg2[%dma_start3A_408, %dma_start3A_409] : memref<400000x32xf32, #tpu.memory_space<hbm>> -> memref<400000x32xf32, #tpu.memory_space<hbm>>
          tpu.enqueue_indirect_dma source(%dma_start3A_410 : memref<400000x32xf32, #tpu.memory_space<hbm>>) target(%arg9 : memref<128x32xf32, #tpu.memory_space<vmem>>) offsets(%dma_start3A_407 : memref<128xi32, #tpu.memory_space<vmem>>) semaphore(%arg11 : memref<!tpu.dma_semaphore, #tpu.memory_space<semaphore_mem>>) {add = true}
          %mul3A_411 = arith.constant 16 : i32
          %mul3A_412 = arith.muli %add3A_370, %mul3A_411 : i32
          %add3A_413 = arith.constant 4 : i32
          %add3A_414 = arith.addi %mul3A_412, %add3A_413 : i32
          %dma_start3A_415 = arith.constant 0 : i32
          %dma_start3A_416 = tpu.memref_slice %arg8[%add3A_414, %dma_start3A_415] : memref<400x128xi32, #tpu.memory_space<vmem>> -> memref<1x128xi32, #tpu.memory_space<vmem>>
          %dma_start3A_417 = tpu.memref_squeeze %dma_start3A_416 : memref<1x128xi32, #tpu.memory_space<vmem>> -> memref<128xi32, #tpu.memory_space<vmem>>
          %dma_start3A_418 = arith.constant 0 : i32
          %dma_start3A_419 = arith.constant 0 : i32
          %dma_start3A_420 = tpu.memref_slice %arg3[%dma_start3A_418, %dma_start3A_419] : memref<400000x32xf32, #tpu.memory_space<hbm>> -> memref<400000x32xf32, #tpu.memory_space<hbm>>
          tpu.enqueue_indirect_dma source(%dma_start3A_420 : memref<400000x32xf32, #tpu.memory_space<hbm>>) target(%arg9 : memref<128x32xf32, #tpu.memory_space<vmem>>) offsets(%dma_start3A_417 : memref<128xi32, #tpu.memory_space<vmem>>) semaphore(%arg11 : memref<!tpu.dma_semaphore, #tpu.memory_space<semaphore_mem>>) {add = true}
          %mul3A_421 = arith.constant 16 : i32
          %mul3A_422 = arith.muli %add3A_370, %mul3A_421 : i32
          %add3A_423 = arith.constant 5 : i32
          %add3A_424 = arith.addi %mul3A_422, %add3A_423 : i32
          %dma_start3A_425 = arith.constant 0 : i32
          %dma_start3A_426 = tpu.memref_slice %arg8[%add3A_424, %dma_start3A_425] : memref<400x128xi32, #tpu.memory_space<vmem>> -> memref<1x128xi32, #tpu.memory_space<vmem>>
          %dma_start3A_427 = tpu.memref_squeeze %dma_start3A_426 : memref<1x128xi32, #tpu.memory_space<vmem>> -> memref<128xi32, #tpu.memory_space<vmem>>
          %dma_start3A_428 = arith.constant 0 : i32
          %dma_start3A_429 = arith.constant 0 : i32
          %dma_start3A_430 = tpu.memref_slice %arg3[%dma_start3A_428, %dma_start3A_429] : memref<400000x32xf32, #tpu.memory_space<hbm>> -> memref<400000x32xf32, #tpu.memory_space<hbm>>
          tpu.enqueue_indirect_dma source(%dma_start3A_430 : memref<400000x32xf32, #tpu.memory_space<hbm>>) target(%arg9 : memref<128x32xf32, #tpu.memory_space<vmem>>) offsets(%dma_start3A_427 : memref<128xi32, #tpu.memory_space<vmem>>) semaphore(%arg11 : memref<!tpu.dma_semaphore, #tpu.memory_space<semaphore_mem>>) {add = true}
          %mul3A_431 = arith.constant 16 : i32
          %mul3A_432 = arith.muli %add3A_370, %mul3A_431 : i32
          %add3A_433 = arith.constant 6 : i32
          %add3A_434 = arith.addi %mul3A_432, %add3A_433 : i32
          %dma_start3A_435 = arith.constant 0 : i32
          %dma_start3A_436 = tpu.memref_slice %arg8[%add3A_434, %dma_start3A_435] : memref<400x128xi32, #tpu.memory_space<vmem>> -> memref<1x128xi32, #tpu.memory_space<vmem>>
          %dma_start3A_437 = tpu.memref_squeeze %dma_start3A_436 : memref<1x128xi32, #tpu.memory_space<vmem>> -> memref<128xi32, #tpu.memory_space<vmem>>
          %dma_start3A_438 = arith.constant 0 : i32
          %dma_start3A_439 = arith.constant 0 : i32
          %dma_start3A_440 = tpu.memref_slice %arg3[%dma_start3A_438, %dma_start3A_439] : memref<400000x32xf32, #tpu.memory_space<hbm>> -> memref<400000x32xf32, #tpu.memory_space<hbm>>
          tpu.enqueue_indirect_dma source(%dma_start3A_440 : memref<400000x32xf32, #tpu.memory_space<hbm>>) target(%arg9 : memref<128x32xf32, #tpu.memory_space<vmem>>) offsets(%dma_start3A_437 : memref<128xi32, #tpu.memory_space<vmem>>) semaphore(%arg11 : memref<!tpu.dma_semaphore, #tpu.memory_space<semaphore_mem>>) {add = true}
          %mul3A_441 = arith.constant 16 : i32
          %mul3A_442 = arith.muli %add3A_370, %mul3A_441 : i32
          %add3A_443 = arith.constant 7 : i32
          %add3A_444 = arith.addi %mul3A_442, %add3A_443 : i32
          %dma_start3A_445 = arith.constant 0 : i32
          %dma_start3A_446 = tpu.memref_slice %arg8[%add3A_444, %dma_start3A_445] : memref<400x128xi32, #tpu.memory_space<vmem>> -> memref<1x128xi32, #tpu.memory_space<vmem>>
          %dma_start3A_447 = tpu.memref_squeeze %dma_start3A_446 : memref<1x128xi32, #tpu.memory_space<vmem>> -> memref<128xi32, #tpu.memory_space<vmem>>
          %dma_start3A_448 = arith.constant 0 : i32
          %dma_start3A_449 = arith.constant 0 : i32
          %dma_start3A_450 = tpu.memref_slice %arg3[%dma_start3A_448, %dma_start3A_449] : memref<400000x32xf32, #tpu.memory_space<hbm>> -> memref<400000x32xf32, #tpu.memory_space<hbm>>
          tpu.enqueue_indirect_dma source(%dma_start3A_450 : memref<400000x32xf32, #tpu.memory_space<hbm>>) target(%arg9 : memref<128x32xf32, #tpu.memory_space<vmem>>) offsets(%dma_start3A_447 : memref<128xi32, #tpu.memory_space<vmem>>) semaphore(%arg11 : memref<!tpu.dma_semaphore, #tpu.memory_space<semaphore_mem>>) {add = true}
          %mul3A_451 = arith.constant 16 : i32
          %mul3A_452 = arith.muli %add3A_370, %mul3A_451 : i32
          %add3A_453 = arith.constant 8 : i32
          %add3A_454 = arith.addi %mul3A_452, %add3A_453 : i32
          %dma_start3A_455 = arith.constant 0 : i32
          %dma_start3A_456 = tpu.memref_slice %arg8[%add3A_454, %dma_start3A_455] : memref<400x128xi32, #tpu.memory_space<vmem>> -> memref<1x128xi32, #tpu.memory_space<vmem>>
          %dma_start3A_457 = tpu.memref_squeeze %dma_start3A_456 : memref<1x128xi32, #tpu.memory_space<vmem>> -> memref<128xi32, #tpu.memory_space<vmem>>
          %dma_start3A_458 = arith.constant 0 : i32
          %dma_start3A_459 = arith.constant 0 : i32
          %dma_start3A_460 = tpu.memref_slice %arg4[%dma_start3A_458, %dma_start3A_459] : memref<400000x32xf32, #tpu.memory_space<hbm>> -> memref<400000x32xf32, #tpu.memory_space<hbm>>
          tpu.enqueue_indirect_dma source(%dma_start3A_460 : memref<400000x32xf32, #tpu.memory_space<hbm>>) target(%arg9 : memref<128x32xf32, #tpu.memory_space<vmem>>) offsets(%dma_start3A_457 : memref<128xi32, #tpu.memory_space<vmem>>) semaphore(%arg11 : memref<!tpu.dma_semaphore, #tpu.memory_space<semaphore_mem>>) {add = true}
          %mul3A_461 = arith.constant 16 : i32
          %mul3A_462 = arith.muli %add3A_370, %mul3A_461 : i32
          %add3A_463 = arith.constant 9 : i32
          %add3A_464 = arith.addi %mul3A_462, %add3A_463 : i32
          %dma_start3A_465 = arith.constant 0 : i32
          %dma_start3A_466 = tpu.memref_slice %arg8[%add3A_464, %dma_start3A_465] : memref<400x128xi32, #tpu.memory_space<vmem>> -> memref<1x128xi32, #tpu.memory_space<vmem>>
          %dma_start3A_467 = tpu.memref_squeeze %dma_start3A_466 : memref<1x128xi32, #tpu.memory_space<vmem>> -> memref<128xi32, #tpu.memory_space<vmem>>
          %dma_start3A_468 = arith.constant 0 : i32
          %dma_start3A_469 = arith.constant 0 : i32
          %dma_start3A_470 = tpu.memref_slice %arg4[%dma_start3A_468, %dma_start3A_469] : memref<400000x32xf32, #tpu.memory_space<hbm>> -> memref<400000x32xf32, #tpu.memory_space<hbm>>
          tpu.enqueue_indirect_dma source(%dma_start3A_470 : memref<400000x32xf32, #tpu.memory_space<hbm>>) target(%arg9 : memref<128x32xf32, #tpu.memory_space<vmem>>) offsets(%dma_start3A_467 : memref<128xi32, #tpu.memory_space<vmem>>) semaphore(%arg11 : memref<!tpu.dma_semaphore, #tpu.memory_space<semaphore_mem>>) {add = true}
          %mul3A_471 = arith.constant 16 : i32
          %mul3A_472 = arith.muli %add3A_370, %mul3A_471 : i32
          %add3A_473 = arith.constant 10 : i32
          %add3A_474 = arith.addi %mul3A_472, %add3A_473 : i32
          %dma_start3A_475 = arith.constant 0 : i32
          %dma_start3A_476 = tpu.memref_slice %arg8[%add3A_474, %dma_start3A_475] : memref<400x128xi32, #tpu.memory_space<vmem>> -> memref<1x128xi32, #tpu.memory_space<vmem>>
          %dma_start3A_477 = tpu.memref_squeeze %dma_start3A_476 : memref<1x128xi32, #tpu.memory_space<vmem>> -> memref<128xi32, #tpu.memory_space<vmem>>
          %dma_start3A_478 = arith.constant 0 : i32
          %dma_start3A_479 = arith.constant 0 : i32
          %dma_start3A_480 = tpu.memref_slice %arg4[%dma_start3A_478, %dma_start3A_479] : memref<400000x32xf32, #tpu.memory_space<hbm>> -> memref<400000x32xf32, #tpu.memory_space<hbm>>
          tpu.enqueue_indirect_dma source(%dma_start3A_480 : memref<400000x32xf32, #tpu.memory_space<hbm>>) target(%arg9 : memref<128x32xf32, #tpu.memory_space<vmem>>) offsets(%dma_start3A_477 : memref<128xi32, #tpu.memory_space<vmem>>) semaphore(%arg11 : memref<!tpu.dma_semaphore, #tpu.memory_space<semaphore_mem>>) {add = true}
          %mul3A_481 = arith.constant 16 : i32
          %mul3A_482 = arith.muli %add3A_370, %mul3A_481 : i32
          %add3A_483 = arith.constant 11 : i32
          %add3A_484 = arith.addi %mul3A_482, %add3A_483 : i32
          %dma_start3A_485 = arith.constant 0 : i32
          %dma_start3A_486 = tpu.memref_slice %arg8[%add3A_484, %dma_start3A_485] : memref<400x128xi32, #tpu.memory_space<vmem>> -> memref<1x128xi32, #tpu.memory_space<vmem>>
          %dma_start3A_487 = tpu.memref_squeeze %dma_start3A_486 : memref<1x128xi32, #tpu.memory_space<vmem>> -> memref<128xi32, #tpu.memory_space<vmem>>
          %dma_start3A_488 = arith.constant 0 : i32
          %dma_start3A_489 = arith.constant 0 : i32
          %dma_start3A_490 = tpu.memref_slice %arg4[%dma_start3A_488, %dma_start3A_489] : memref<400000x32xf32, #tpu.memory_space<hbm>> -> memref<400000x32xf32, #tpu.memory_space<hbm>>
          tpu.enqueue_indirect_dma source(%dma_start3A_490 : memref<400000x32xf32, #tpu.memory_space<hbm>>) target(%arg9 : memref<128x32xf32, #tpu.memory_space<vmem>>) offsets(%dma_start3A_487 : memref<128xi32, #tpu.memory_space<vmem>>) semaphore(%arg11 : memref<!tpu.dma_semaphore, #tpu.memory_space<semaphore_mem>>) {add = true}
          %mul3A_491 = arith.constant 16 : i32
          %mul3A_492 = arith.muli %add3A_370, %mul3A_491 : i32
          %add3A_493 = arith.constant 12 : i32
          %add3A_494 = arith.addi %mul3A_492, %add3A_493 : i32
          %dma_start3A_495 = arith.constant 0 : i32
          %dma_start3A_496 = tpu.memref_slice %arg8[%add3A_494, %dma_start3A_495] : memref<400x128xi32, #tpu.memory_space<vmem>> -> memref<1x128xi32, #tpu.memory_space<vmem>>
          %dma_start3A_497 = tpu.memref_squeeze %dma_start3A_496 : memref<1x128xi32, #tpu.memory_space<vmem>> -> memref<128xi32, #tpu.memory_space<vmem>>
          %dma_start3A_498 = arith.constant 0 : i32
          %dma_start3A_499 = arith.constant 0 : i32
          %dma_start3A_500 = tpu.memref_slice %arg5[%dma_start3A_498, %dma_start3A_499] : memref<400000x32xf32, #tpu.memory_space<hbm>> -> memref<400000x32xf32, #tpu.memory_space<hbm>>
          tpu.enqueue_indirect_dma source(%dma_start3A_500 : memref<400000x32xf32, #tpu.memory_space<hbm>>) target(%arg9 : memref<128x32xf32, #tpu.memory_space<vmem>>) offsets(%dma_start3A_497 : memref<128xi32, #tpu.memory_space<vmem>>) semaphore(%arg11 : memref<!tpu.dma_semaphore, #tpu.memory_space<semaphore_mem>>) {add = true}
          %mul3A_501 = arith.constant 16 : i32
          %mul3A_502 = arith.muli %add3A_370, %mul3A_501 : i32
          %add3A_503 = arith.constant 13 : i32
          %add3A_504 = arith.addi %mul3A_502, %add3A_503 : i32
          %dma_start3A_505 = arith.constant 0 : i32
          %dma_start3A_506 = tpu.memref_slice %arg8[%add3A_504, %dma_start3A_505] : memref<400x128xi32, #tpu.memory_space<vmem>> -> memref<1x128xi32, #tpu.memory_space<vmem>>
          %dma_start3A_507 = tpu.memref_squeeze %dma_start3A_506 : memref<1x128xi32, #tpu.memory_space<vmem>> -> memref<128xi32, #tpu.memory_space<vmem>>
          %dma_start3A_508 = arith.constant 0 : i32
          %dma_start3A_509 = arith.constant 0 : i32
          %dma_start3A_510 = tpu.memref_slice %arg5[%dma_start3A_508, %dma_start3A_509] : memref<400000x32xf32, #tpu.memory_space<hbm>> -> memref<400000x32xf32, #tpu.memory_space<hbm>>
          tpu.enqueue_indirect_dma source(%dma_start3A_510 : memref<400000x32xf32, #tpu.memory_space<hbm>>) target(%arg9 : memref<128x32xf32, #tpu.memory_space<vmem>>) offsets(%dma_start3A_507 : memref<128xi32, #tpu.memory_space<vmem>>) semaphore(%arg11 : memref<!tpu.dma_semaphore, #tpu.memory_space<semaphore_mem>>) {add = true}
          %mul3A_511 = arith.constant 16 : i32
          %mul3A_512 = arith.muli %add3A_370, %mul3A_511 : i32
          %add3A_513 = arith.constant 14 : i32
          %add3A_514 = arith.addi %mul3A_512, %add3A_513 : i32
          %dma_start3A_515 = arith.constant 0 : i32
          %dma_start3A_516 = tpu.memref_slice %arg8[%add3A_514, %dma_start3A_515] : memref<400x128xi32, #tpu.memory_space<vmem>> -> memref<1x128xi32, #tpu.memory_space<vmem>>
          %dma_start3A_517 = tpu.memref_squeeze %dma_start3A_516 : memref<1x128xi32, #tpu.memory_space<vmem>> -> memref<128xi32, #tpu.memory_space<vmem>>
          %dma_start3A_518 = arith.constant 0 : i32
          %dma_start3A_519 = arith.constant 0 : i32
          %dma_start3A_520 = tpu.memref_slice %arg5[%dma_start3A_518, %dma_start3A_519] : memref<400000x32xf32, #tpu.memory_space<hbm>> -> memref<400000x32xf32, #tpu.memory_space<hbm>>
          tpu.enqueue_indirect_dma source(%dma_start3A_520 : memref<400000x32xf32, #tpu.memory_space<hbm>>) target(%arg9 : memref<128x32xf32, #tpu.memory_space<vmem>>) offsets(%dma_start3A_517 : memref<128xi32, #tpu.memory_space<vmem>>) semaphore(%arg11 : memref<!tpu.dma_semaphore, #tpu.memory_space<semaphore_mem>>) {add = true}
          %mul3A_521 = arith.constant 16 : i32
          %mul3A_522 = arith.muli %add3A_370, %mul3A_521 : i32
          %add3A_523 = arith.constant 15 : i32
          %add3A_524 = arith.addi %mul3A_522, %add3A_523 : i32
          %dma_start3A_525 = arith.constant 0 : i32
          %dma_start3A_526 = tpu.memref_slice %arg8[%add3A_524, %dma_start3A_525] : memref<400x128xi32, #tpu.memory_space<vmem>> -> memref<1x128xi32, #tpu.memory_space<vmem>>
          %dma_start3A_527 = tpu.memref_squeeze %dma_start3A_526 : memref<1x128xi32, #tpu.memory_space<vmem>> -> memref<128xi32, #tpu.memory_space<vmem>>
          %dma_start3A_528 = arith.constant 0 : i32
          %dma_start3A_529 = arith.constant 0 : i32
          %dma_start3A_530 = tpu.memref_slice %arg5[%dma_start3A_528, %dma_start3A_529] : memref<400000x32xf32, #tpu.memory_space<hbm>> -> memref<400000x32xf32, #tpu.memory_space<hbm>>
          tpu.enqueue_indirect_dma source(%dma_start3A_530 : memref<400000x32xf32, #tpu.memory_space<hbm>>) target(%arg9 : memref<128x32xf32, #tpu.memory_space<vmem>>) offsets(%dma_start3A_527 : memref<128xi32, #tpu.memory_space<vmem>>) semaphore(%arg11 : memref<!tpu.dma_semaphore, #tpu.memory_space<semaphore_mem>>) {add = true}
        } else {
        }
        %dma_wait3A = arith.constant 0 : i32
        %dma_wait3A_253 = arith.constant 0 : i32
        %dma_wait3A_254 = tpu.memref_slice %arg2[%dma_wait3A, %dma_wait3A_253] : memref<400000x32xf32, #tpu.memory_space<hbm>> -> memref<128x32xf32, #tpu.memory_space<hbm>>
        %dma_wait3A_255 = arith.constant 0 : i32
        %dma_wait3A_256 = arith.constant 0 : i32
        %dma_wait3A_257 = tpu.memref_slice %arg2[%dma_wait3A_255, %dma_wait3A_256] : memref<400000x32xf32, #tpu.memory_space<hbm>> -> memref<128x32xf32, #tpu.memory_space<hbm>>
        tpu.wait_dma2 semaphore(%arg12 : memref<!tpu.dma_semaphore, #tpu.memory_space<semaphore_mem>>) src(%dma_wait3A_257 : memref<128x32xf32, #tpu.memory_space<hbm>>) dst(%arg9 : memref<128x32xf32, #tpu.memory_space<vmem>>)
        %dma_wait3A_258 = arith.constant 0 : i32
        %dma_wait3A_259 = arith.constant 0 : i32
        %dma_wait3A_260 = tpu.memref_slice %arg2[%dma_wait3A_258, %dma_wait3A_259] : memref<400000x32xf32, #tpu.memory_space<hbm>> -> memref<128x32xf32, #tpu.memory_space<hbm>>
        %dma_wait3A_261 = arith.constant 0 : i32
        %dma_wait3A_262 = arith.constant 0 : i32
        %dma_wait3A_263 = tpu.memref_slice %arg2[%dma_wait3A_261, %dma_wait3A_262] : memref<400000x32xf32, #tpu.memory_space<hbm>> -> memref<128x32xf32, #tpu.memory_space<hbm>>
        tpu.wait_dma2 semaphore(%arg12 : memref<!tpu.dma_semaphore, #tpu.memory_space<semaphore_mem>>) src(%dma_wait3A_263 : memref<128x32xf32, #tpu.memory_space<hbm>>) dst(%arg9 : memref<128x32xf32, #tpu.memory_space<vmem>>)
        %dma_wait3A_264 = arith.constant 0 : i32
        %dma_wait3A_265 = arith.constant 0 : i32
        %dma_wait3A_266 = tpu.memref_slice %arg2[%dma_wait3A_264, %dma_wait3A_265] : memref<400000x32xf32, #tpu.memory_space<hbm>> -> memref<128x32xf32, #tpu.memory_space<hbm>>
        %dma_wait3A_267 = arith.constant 0 : i32
        %dma_wait3A_268 = arith.constant 0 : i32
        %dma_wait3A_269 = tpu.memref_slice %arg2[%dma_wait3A_267, %dma_wait3A_268] : memref<400000x32xf32, #tpu.memory_space<hbm>> -> memref<128x32xf32, #tpu.memory_space<hbm>>
        tpu.wait_dma2 semaphore(%arg12 : memref<!tpu.dma_semaphore, #tpu.memory_space<semaphore_mem>>) src(%dma_wait3A_269 : memref<128x32xf32, #tpu.memory_space<hbm>>) dst(%arg9 : memref<128x32xf32, #tpu.memory_space<vmem>>)
        %dma_wait3A_270 = arith.constant 0 : i32
        %dma_wait3A_271 = arith.constant 0 : i32
        %dma_wait3A_272 = tpu.memref_slice %arg2[%dma_wait3A_270, %dma_wait3A_271] : memref<400000x32xf32, #tpu.memory_space<hbm>> -> memref<128x32xf32, #tpu.memory_space<hbm>>
        %dma_wait3A_273 = arith.constant 0 : i32
        %dma_wait3A_274 = arith.constant 0 : i32
        %dma_wait3A_275 = tpu.memref_slice %arg2[%dma_wait3A_273, %dma_wait3A_274] : memref<400000x32xf32, #tpu.memory_space<hbm>> -> memref<128x32xf32, #tpu.memory_space<hbm>>
        tpu.wait_dma2 semaphore(%arg12 : memref<!tpu.dma_semaphore, #tpu.memory_space<semaphore_mem>>) src(%dma_wait3A_275 : memref<128x32xf32, #tpu.memory_space<hbm>>) dst(%arg9 : memref<128x32xf32, #tpu.memory_space<vmem>>)
        %dma_wait3A_276 = arith.constant 0 : i32
        %dma_wait3A_277 = arith.constant 0 : i32
        %dma_wait3A_278 = tpu.memref_slice %arg2[%dma_wait3A_276, %dma_wait3A_277] : memref<400000x32xf32, #tpu.memory_space<hbm>> -> memref<128x32xf32, #tpu.memory_space<hbm>>
        %dma_wait3A_279 = arith.constant 0 : i32
        %dma_wait3A_280 = arith.constant 0 : i32
        %dma_wait3A_281 = tpu.memref_slice %arg2[%dma_wait3A_279, %dma_wait3A_280] : memref<400000x32xf32, #tpu.memory_space<hbm>> -> memref<128x32xf32, #tpu.memory_space<hbm>>
        tpu.wait_dma2 semaphore(%arg12 : memref<!tpu.dma_semaphore, #tpu.memory_space<semaphore_mem>>) src(%dma_wait3A_281 : memref<128x32xf32, #tpu.memory_space<hbm>>) dst(%arg9 : memref<128x32xf32, #tpu.memory_space<vmem>>)
        %dma_wait3A_282 = arith.constant 0 : i32
        %dma_wait3A_283 = arith.constant 0 : i32
        %dma_wait3A_284 = tpu.memref_slice %arg2[%dma_wait3A_282, %dma_wait3A_283] : memref<400000x32xf32, #tpu.memory_space<hbm>> -> memref<128x32xf32, #tpu.memory_space<hbm>>
        %dma_wait3A_285 = arith.constant 0 : i32
        %dma_wait3A_286 = arith.constant 0 : i32
        %dma_wait3A_287 = tpu.memref_slice %arg2[%dma_wait3A_285, %dma_wait3A_286] : memref<400000x32xf32, #tpu.memory_space<hbm>> -> memref<128x32xf32, #tpu.memory_space<hbm>>
        tpu.wait_dma2 semaphore(%arg12 : memref<!tpu.dma_semaphore, #tpu.memory_space<semaphore_mem>>) src(%dma_wait3A_287 : memref<128x32xf32, #tpu.memory_space<hbm>>) dst(%arg9 : memref<128x32xf32, #tpu.memory_space<vmem>>)
        %dma_wait3A_288 = arith.constant 0 : i32
        %dma_wait3A_289 = arith.constant 0 : i32
        %dma_wait3A_290 = tpu.memref_slice %arg2[%dma_wait3A_288, %dma_wait3A_289] : memref<400000x32xf32, #tpu.memory_space<hbm>> -> memref<128x32xf32, #tpu.memory_space<hbm>>
        %dma_wait3A_291 = arith.constant 0 : i32
        %dma_wait3A_292 = arith.constant 0 : i32
        %dma_wait3A_293 = tpu.memref_slice %arg2[%dma_wait3A_291, %dma_wait3A_292] : memref<400000x32xf32, #tpu.memory_space<hbm>> -> memref<128x32xf32, #tpu.memory_space<hbm>>
        tpu.wait_dma2 semaphore(%arg12 : memref<!tpu.dma_semaphore, #tpu.memory_space<semaphore_mem>>) src(%dma_wait3A_293 : memref<128x32xf32, #tpu.memory_space<hbm>>) dst(%arg9 : memref<128x32xf32, #tpu.memory_space<vmem>>)
        %dma_wait3A_294 = arith.constant 0 : i32
        %dma_wait3A_295 = arith.constant 0 : i32
        %dma_wait3A_296 = tpu.memref_slice %arg2[%dma_wait3A_294, %dma_wait3A_295] : memref<400000x32xf32, #tpu.memory_space<hbm>> -> memref<128x32xf32, #tpu.memory_space<hbm>>
        %dma_wait3A_297 = arith.constant 0 : i32
        %dma_wait3A_298 = arith.constant 0 : i32
        %dma_wait3A_299 = tpu.memref_slice %arg2[%dma_wait3A_297, %dma_wait3A_298] : memref<400000x32xf32, #tpu.memory_space<hbm>> -> memref<128x32xf32, #tpu.memory_space<hbm>>
        tpu.wait_dma2 semaphore(%arg12 : memref<!tpu.dma_semaphore, #tpu.memory_space<semaphore_mem>>) src(%dma_wait3A_299 : memref<128x32xf32, #tpu.memory_space<hbm>>) dst(%arg9 : memref<128x32xf32, #tpu.memory_space<vmem>>)
        %dma_wait3A_300 = arith.constant 0 : i32
        %dma_wait3A_301 = arith.constant 0 : i32
        %dma_wait3A_302 = tpu.memref_slice %arg2[%dma_wait3A_300, %dma_wait3A_301] : memref<400000x32xf32, #tpu.memory_space<hbm>> -> memref<128x32xf32, #tpu.memory_space<hbm>>
        %dma_wait3A_303 = arith.constant 0 : i32
        %dma_wait3A_304 = arith.constant 0 : i32
        %dma_wait3A_305 = tpu.memref_slice %arg2[%dma_wait3A_303, %dma_wait3A_304] : memref<400000x32xf32, #tpu.memory_space<hbm>> -> memref<128x32xf32, #tpu.memory_space<hbm>>
        tpu.wait_dma2 semaphore(%arg12 : memref<!tpu.dma_semaphore, #tpu.memory_space<semaphore_mem>>) src(%dma_wait3A_305 : memref<128x32xf32, #tpu.memory_space<hbm>>) dst(%arg9 : memref<128x32xf32, #tpu.memory_space<vmem>>)
        %dma_wait3A_306 = arith.constant 0 : i32
        %dma_wait3A_307 = arith.constant 0 : i32
        %dma_wait3A_308 = tpu.memref_slice %arg2[%dma_wait3A_306, %dma_wait3A_307] : memref<400000x32xf32, #tpu.memory_space<hbm>> -> memref<128x32xf32, #tpu.memory_space<hbm>>
        %dma_wait3A_309 = arith.constant 0 : i32
        %dma_wait3A_310 = arith.constant 0 : i32
        %dma_wait3A_311 = tpu.memref_slice %arg2[%dma_wait3A_309, %dma_wait3A_310] : memref<400000x32xf32, #tpu.memory_space<hbm>> -> memref<128x32xf32, #tpu.memory_space<hbm>>
        tpu.wait_dma2 semaphore(%arg12 : memref<!tpu.dma_semaphore, #tpu.memory_space<semaphore_mem>>) src(%dma_wait3A_311 : memref<128x32xf32, #tpu.memory_space<hbm>>) dst(%arg9 : memref<128x32xf32, #tpu.memory_space<vmem>>)
        %dma_wait3A_312 = arith.constant 0 : i32
        %dma_wait3A_313 = arith.constant 0 : i32
        %dma_wait3A_314 = tpu.memref_slice %arg2[%dma_wait3A_312, %dma_wait3A_313] : memref<400000x32xf32, #tpu.memory_space<hbm>> -> memref<128x32xf32, #tpu.memory_space<hbm>>
        %dma_wait3A_315 = arith.constant 0 : i32
        %dma_wait3A_316 = arith.constant 0 : i32
        %dma_wait3A_317 = tpu.memref_slice %arg2[%dma_wait3A_315, %dma_wait3A_316] : memref<400000x32xf32, #tpu.memory_space<hbm>> -> memref<128x32xf32, #tpu.memory_space<hbm>>
        tpu.wait_dma2 semaphore(%arg12 : memref<!tpu.dma_semaphore, #tpu.memory_space<semaphore_mem>>) src(%dma_wait3A_317 : memref<128x32xf32, #tpu.memory_space<hbm>>) dst(%arg9 : memref<128x32xf32, #tpu.memory_space<vmem>>)
        %dma_wait3A_318 = arith.constant 0 : i32
        %dma_wait3A_319 = arith.constant 0 : i32
        %dma_wait3A_320 = tpu.memref_slice %arg2[%dma_wait3A_318, %dma_wait3A_319] : memref<400000x32xf32, #tpu.memory_space<hbm>> -> memref<128x32xf32, #tpu.memory_space<hbm>>
        %dma_wait3A_321 = arith.constant 0 : i32
        %dma_wait3A_322 = arith.constant 0 : i32
        %dma_wait3A_323 = tpu.memref_slice %arg2[%dma_wait3A_321, %dma_wait3A_322] : memref<400000x32xf32, #tpu.memory_space<hbm>> -> memref<128x32xf32, #tpu.memory_space<hbm>>
        tpu.wait_dma2 semaphore(%arg12 : memref<!tpu.dma_semaphore, #tpu.memory_space<semaphore_mem>>) src(%dma_wait3A_323 : memref<128x32xf32, #tpu.memory_space<hbm>>) dst(%arg9 : memref<128x32xf32, #tpu.memory_space<vmem>>)
        %dma_wait3A_324 = arith.constant 0 : i32
        %dma_wait3A_325 = arith.constant 0 : i32
        %dma_wait3A_326 = tpu.memref_slice %arg2[%dma_wait3A_324, %dma_wait3A_325] : memref<400000x32xf32, #tpu.memory_space<hbm>> -> memref<128x32xf32, #tpu.memory_space<hbm>>
        %dma_wait3A_327 = arith.constant 0 : i32
        %dma_wait3A_328 = arith.constant 0 : i32
        %dma_wait3A_329 = tpu.memref_slice %arg2[%dma_wait3A_327, %dma_wait3A_328] : memref<400000x32xf32, #tpu.memory_space<hbm>> -> memref<128x32xf32, #tpu.memory_space<hbm>>
        tpu.wait_dma2 semaphore(%arg12 : memref<!tpu.dma_semaphore, #tpu.memory_space<semaphore_mem>>) src(%dma_wait3A_329 : memref<128x32xf32, #tpu.memory_space<hbm>>) dst(%arg9 : memref<128x32xf32, #tpu.memory_space<vmem>>)
        %dma_wait3A_330 = arith.constant 0 : i32
        %dma_wait3A_331 = arith.constant 0 : i32
        %dma_wait3A_332 = tpu.memref_slice %arg2[%dma_wait3A_330, %dma_wait3A_331] : memref<400000x32xf32, #tpu.memory_space<hbm>> -> memref<128x32xf32, #tpu.memory_space<hbm>>
        %dma_wait3A_333 = arith.constant 0 : i32
        %dma_wait3A_334 = arith.constant 0 : i32
        %dma_wait3A_335 = tpu.memref_slice %arg2[%dma_wait3A_333, %dma_wait3A_334] : memref<400000x32xf32, #tpu.memory_space<hbm>> -> memref<128x32xf32, #tpu.memory_space<hbm>>
        tpu.wait_dma2 semaphore(%arg12 : memref<!tpu.dma_semaphore, #tpu.memory_space<semaphore_mem>>) src(%dma_wait3A_335 : memref<128x32xf32, #tpu.memory_space<hbm>>) dst(%arg9 : memref<128x32xf32, #tpu.memory_space<vmem>>)
        %dma_wait3A_336 = arith.constant 0 : i32
        %dma_wait3A_337 = arith.constant 0 : i32
        %dma_wait3A_338 = tpu.memref_slice %arg2[%dma_wait3A_336, %dma_wait3A_337] : memref<400000x32xf32, #tpu.memory_space<hbm>> -> memref<128x32xf32, #tpu.memory_space<hbm>>
        %dma_wait3A_339 = arith.constant 0 : i32
        %dma_wait3A_340 = arith.constant 0 : i32
        %dma_wait3A_341 = tpu.memref_slice %arg2[%dma_wait3A_339, %dma_wait3A_340] : memref<400000x32xf32, #tpu.memory_space<hbm>> -> memref<128x32xf32, #tpu.memory_space<hbm>>
        tpu.wait_dma2 semaphore(%arg12 : memref<!tpu.dma_semaphore, #tpu.memory_space<semaphore_mem>>) src(%dma_wait3A_341 : memref<128x32xf32, #tpu.memory_space<hbm>>) dst(%arg9 : memref<128x32xf32, #tpu.memory_space<vmem>>)
        %dma_wait3A_342 = arith.constant 0 : i32
        %dma_wait3A_343 = arith.constant 0 : i32
        %dma_wait3A_344 = tpu.memref_slice %arg2[%dma_wait3A_342, %dma_wait3A_343] : memref<400000x32xf32, #tpu.memory_space<hbm>> -> memref<128x32xf32, #tpu.memory_space<hbm>>
        %dma_wait3A_345 = arith.constant 0 : i32
        %dma_wait3A_346 = arith.constant 0 : i32
        %dma_wait3A_347 = tpu.memref_slice %arg2[%dma_wait3A_345, %dma_wait3A_346] : memref<400000x32xf32, #tpu.memory_space<hbm>> -> memref<128x32xf32, #tpu.memory_space<hbm>>
        tpu.wait_dma2 semaphore(%arg12 : memref<!tpu.dma_semaphore, #tpu.memory_space<semaphore_mem>>) src(%dma_wait3A_347 : memref<128x32xf32, #tpu.memory_space<hbm>>) dst(%arg9 : memref<128x32xf32, #tpu.memory_space<vmem>>)
        %add3A_348 = arith.addi %select_n3A, %add3A_242 : i32
        %eq3A_349 = arith.constant 781 : i32
        %eq3A_350 = arith.cmpi eq, %add3A_348, %eq3A_349 : i32
        %convert_element_type3A_351 = arith.extui %eq3A_350 : i1 to i32
        %cond3A_352 = arith.constant 0 : i32
        %cond3A_353 = arith.cmpi ne, %convert_element_type3A_351, %cond3A_352 : i32
        scf.if %cond3A_353 {
          %dma_start3A_359 = arith.constant 0 : i32
          %dma_start3A_360 = arith.constant 0 : i32
          %dma_start3A_361 = tpu.memref_slice %arg10[%dma_start3A_359, %dma_start3A_360] : memref<128x32xf32, #tpu.memory_space<vmem>> -> memref<32x32xf32, #tpu.memory_space<vmem>>
          %dma_start3A_362 = arith.constant 99968 : i32
          %dma_start3A_363 = arith.constant 0 : i32
          %dma_start3A_364 = tpu.memref_slice %arg7[%dma_start3A_362, %dma_start3A_363] : memref<100000x128xf32, #tpu.memory_space<hbm>> -> memref<32x32xf32, #tpu.memory_space<hbm>>
          %dma_start3A_365 = arith.constant 99968 : i32
          %dma_start3A_366 = arith.constant 0 : i32
          %dma_start3A_367 = tpu.memref_slice %arg7[%dma_start3A_365, %dma_start3A_366] : memref<100000x128xf32, #tpu.memory_space<hbm>> -> memref<32x32xf32, #tpu.memory_space<hbm>>
          %dma_start3A_368 = arith.constant 0 : i32
          %dma_start3A_369 = arith.constant 0 : i32
          %dma_start3A_370 = tpu.memref_slice %arg10[%dma_start3A_368, %dma_start3A_369] : memref<128x32xf32, #tpu.memory_space<vmem>> -> memref<32x32xf32, #tpu.memory_space<vmem>>
          tpu.enqueue_dma source(%dma_start3A_370 : memref<32x32xf32, #tpu.memory_space<vmem>>) target(%dma_start3A_367 : memref<32x32xf32, #tpu.memory_space<hbm>>) target_semaphore(%arg14 : memref<!tpu.dma_semaphore, #tpu.memory_space<semaphore_mem>>)
        } else {
        }
        %ne3A_354 = arith.constant 781 : i32
        %ne3A_355 = arith.cmpi ne, %add3A_348, %ne3A_354 : i32
        %convert_element_type3A_356 = arith.extui %ne3A_355 : i1 to i32
        %cond3A_357 = arith.constant 0 : i32
        %cond3A_358 = arith.cmpi ne, %convert_element_type3A_356, %cond3A_357 : i32
        scf.if %cond3A_358 {
          %mul3A_359 = arith.constant 128 : i32
          %mul3A_360 = arith.muli %add3A_348, %mul3A_359 : i32
          %dma_start3A_361 = arith.constant 0 : i32
          %dma_start3A_362 = tpu.memref_slice %arg7[%mul3A_360, %dma_start3A_361] : memref<100000x128xf32, #tpu.memory_space<hbm>> -> memref<128x32xf32, #tpu.memory_space<hbm>>
          %dma_start3A_363 = arith.constant 0 : i32
          %dma_start3A_364 = tpu.memref_slice %arg7[%mul3A_360, %dma_start3A_363] : memref<100000x128xf32, #tpu.memory_space<hbm>> -> memref<128x32xf32, #tpu.memory_space<hbm>>
          tpu.enqueue_dma source(%arg10 : memref<128x32xf32, #tpu.memory_space<vmem>>) target(%dma_start3A_364 : memref<128x32xf32, #tpu.memory_space<hbm>>) target_semaphore(%arg14 : memref<!tpu.dma_semaphore, #tpu.memory_space<semaphore_mem>>)
        } else {
        }
      } else {
      }
    }
    %scan3A_172 = arith.constant 13 : i32
    %eq3A = arith.constant 782 : i32
    %eq3A_173 = arith.cmpi eq, %select_n3A_46, %eq3A : i32
    %sub3A_174 = arith.constant 1 : i32
    %sub3A_175 = arith.subi %sub3A_47, %sub3A_174 : i32
    %jit3A_176 = arith.constant 2 : i32
    %eq3A_177 = arith.constant 0 : i32
    %eq3A_178 = arith.cmpi eq, %jit3A_176, %eq3A_177 : i32
    %jit3A_179 = arith.constant 1 : i32
    %select_n3A_180 = arith.select %eq3A_178, %jit3A_179, %jit3A_176 : i32
    %rem3A_181 = arith.remsi %sub3A_175, %select_n3A_180 : i32
    %ne3A_182 = arith.constant 0 : i32
    %ne3A_183 = arith.cmpi ne, %rem3A_181, %ne3A_182 : i32
    %lt3A = arith.constant 0 : i32
    %lt3A_184 = arith.cmpi slt, %rem3A_181, %lt3A : i32
    %lt3A_185 = arith.constant 0 : i32
    %lt3A_186 = arith.cmpi slt, %select_n3A_180, %lt3A_185 : i32
    %ne3A_187 = arith.xori %lt3A_184, %lt3A_186 : i1
    %and3A_188 = arith.andi %ne3A_187, %ne3A_183 : i1
    %add3A_189 = arith.addi %rem3A_181, %select_n3A_180 : i32
    %select_n3A_190 = arith.select %and3A_188, %add3A_189, %rem3A_181 : i32
    %eq3A_191 = arith.constant 0 : i32
    %eq3A_192 = arith.cmpi eq, %select_n3A_190, %eq3A_191 : i32
    %and3A_193 = arith.andi %eq3A_173, %eq3A_192 : i1
    %convert_element_type3A = arith.extui %and3A_193 : i1 to i32
    %cond3A = arith.constant 0 : i32
    %cond3A_194 = arith.cmpi ne, %convert_element_type3A, %cond3A : i32
    scf.if %cond3A_194 {
      %dma_wait3A = arith.constant 0 : i32
      %dma_wait3A_230 = arith.constant 0 : i32
      %dma_wait3A_231 = tpu.memref_slice %arg9[%dma_wait3A, %dma_wait3A_230] : memref<128x32xf32, #tpu.memory_space<vmem>> -> memref<32x32xf32, #tpu.memory_space<vmem>>
      %dma_wait3A_232 = arith.constant 0 : i32
      %dma_wait3A_233 = arith.constant 0 : i32
      %dma_wait3A_234 = tpu.memref_slice %arg7[%dma_wait3A_232, %dma_wait3A_233] : memref<100000x128xf32, #tpu.memory_space<hbm>> -> memref<32x32xf32, #tpu.memory_space<hbm>>
      %dma_wait3A_235 = arith.constant 0 : i32
      %dma_wait3A_236 = arith.constant 0 : i32
      %dma_wait3A_237 = tpu.memref_slice %arg7[%dma_wait3A_235, %dma_wait3A_236] : memref<100000x128xf32, #tpu.memory_space<hbm>> -> memref<32x32xf32, #tpu.memory_space<hbm>>
      %dma_wait3A_238 = arith.constant 0 : i32
      %dma_wait3A_239 = arith.constant 0 : i32
      %dma_wait3A_240 = tpu.memref_slice %arg9[%dma_wait3A_238, %dma_wait3A_239] : memref<128x32xf32, #tpu.memory_space<vmem>> -> memref<32x32xf32, #tpu.memory_space<vmem>>
      tpu.wait_dma2 semaphore(%arg13 : memref<!tpu.dma_semaphore, #tpu.memory_space<semaphore_mem>>) src(%dma_wait3A_240 : memref<32x32xf32, #tpu.memory_space<vmem>>) dst(%dma_wait3A_237 : memref<32x32xf32, #tpu.memory_space<hbm>>)
    } else {
    }
    %not3A = arith.constant true
    %not3A_195 = arith.xori %and3A_193, %not3A : i1
    %convert_element_type3A_196 = arith.extui %not3A_195 : i1 to i32
    %cond3A_197 = arith.constant 0 : i32
    %cond3A_198 = arith.cmpi ne, %convert_element_type3A_196, %cond3A_197 : i32
    scf.if %cond3A_198 {
      %dma_wait3A = arith.constant 0 : i32
      %dma_wait3A_230 = arith.constant 0 : i32
      %dma_wait3A_231 = tpu.memref_slice %arg7[%dma_wait3A, %dma_wait3A_230] : memref<100000x128xf32, #tpu.memory_space<hbm>> -> memref<128x32xf32, #tpu.memory_space<hbm>>
      %dma_wait3A_232 = arith.constant 0 : i32
      %dma_wait3A_233 = arith.constant 0 : i32
      %dma_wait3A_234 = tpu.memref_slice %arg7[%dma_wait3A_232, %dma_wait3A_233] : memref<100000x128xf32, #tpu.memory_space<hbm>> -> memref<128x32xf32, #tpu.memory_space<hbm>>
      tpu.wait_dma2 semaphore(%arg13 : memref<!tpu.dma_semaphore, #tpu.memory_space<semaphore_mem>>) src(%arg9 : memref<128x32xf32, #tpu.memory_space<vmem>>) dst(%dma_wait3A_234 : memref<128x32xf32, #tpu.memory_space<hbm>>)
    } else {
    }
    %eq3A_199 = arith.constant 782 : i32
    %eq3A_200 = arith.cmpi eq, %select_n3A_46, %eq3A_199 : i32
    %sub3A_201 = arith.constant 1 : i32
    %sub3A_202 = arith.subi %sub3A_47, %sub3A_201 : i32
    %jit3A_203 = arith.constant 2 : i32
    %eq3A_204 = arith.constant 0 : i32
    %eq3A_205 = arith.cmpi eq, %jit3A_203, %eq3A_204 : i32
    %jit3A_206 = arith.constant 1 : i32
    %select_n3A_207 = arith.select %eq3A_205, %jit3A_206, %jit3A_203 : i32
    %rem3A_208 = arith.remsi %sub3A_202, %select_n3A_207 : i32
    %ne3A_209 = arith.constant 0 : i32
    %ne3A_210 = arith.cmpi ne, %rem3A_208, %ne3A_209 : i32
    %lt3A_211 = arith.constant 0 : i32
    %lt3A_212 = arith.cmpi slt, %rem3A_208, %lt3A_211 : i32
    %lt3A_213 = arith.constant 0 : i32
    %lt3A_214 = arith.cmpi slt, %select_n3A_207, %lt3A_213 : i32
    %ne3A_215 = arith.xori %lt3A_212, %lt3A_214 : i1
    %and3A_216 = arith.andi %ne3A_215, %ne3A_210 : i1
    %add3A_217 = arith.addi %rem3A_208, %select_n3A_207 : i32
    %select_n3A_218 = arith.select %and3A_216, %add3A_217, %rem3A_208 : i32
    %eq3A_219 = arith.constant 1 : i32
    %eq3A_220 = arith.cmpi eq, %select_n3A_218, %eq3A_219 : i32
    %and3A_221 = arith.andi %eq3A_200, %eq3A_220 : i1
    %convert_element_type3A_222 = arith.extui %and3A_221 : i1 to i32
    %cond3A_223 = arith.constant 0 : i32
    %cond3A_224 = arith.cmpi ne, %convert_element_type3A_222, %cond3A_223 : i32
    scf.if %cond3A_224 {
      %dma_wait3A = arith.constant 0 : i32
      %dma_wait3A_230 = arith.constant 0 : i32
      %dma_wait3A_231 = tpu.memref_slice %arg10[%dma_wait3A, %dma_wait3A_230] : memref<128x32xf32, #tpu.memory_space<vmem>> -> memref<32x32xf32, #tpu.memory_space<vmem>>
      %dma_wait3A_232 = arith.constant 0 : i32
      %dma_wait3A_233 = arith.constant 0 : i32
      %dma_wait3A_234 = tpu.memref_slice %arg7[%dma_wait3A_232, %dma_wait3A_233] : memref<100000x128xf32, #tpu.memory_space<hbm>> -> memref<32x32xf32, #tpu.memory_space<hbm>>
      %dma_wait3A_235 = arith.constant 0 : i32
      %dma_wait3A_236 = arith.constant 0 : i32
      %dma_wait3A_237 = tpu.memref_slice %arg7[%dma_wait3A_235, %dma_wait3A_236] : memref<100000x128xf32, #tpu.memory_space<hbm>> -> memref<32x32xf32, #tpu.memory_space<hbm>>
      %dma_wait3A_238 = arith.constant 0 : i32
      %dma_wait3A_239 = arith.constant 0 : i32
      %dma_wait3A_240 = tpu.memref_slice %arg10[%dma_wait3A_238, %dma_wait3A_239] : memref<128x32xf32, #tpu.memory_space<vmem>> -> memref<32x32xf32, #tpu.memory_space<vmem>>
      tpu.wait_dma2 semaphore(%arg14 : memref<!tpu.dma_semaphore, #tpu.memory_space<semaphore_mem>>) src(%dma_wait3A_240 : memref<32x32xf32, #tpu.memory_space<vmem>>) dst(%dma_wait3A_237 : memref<32x32xf32, #tpu.memory_space<hbm>>)
    } else {
    }
    %not3A_225 = arith.constant true
    %not3A_226 = arith.xori %and3A_221, %not3A_225 : i1
    %convert_element_type3A_227 = arith.extui %not3A_226 : i1 to i32
    %cond3A_228 = arith.constant 0 : i32
    %cond3A_229 = arith.cmpi ne, %convert_element_type3A_227, %cond3A_228 : i32
    scf.if %cond3A_229 {
      %dma_wait3A = arith.constant 0 : i32
      %dma_wait3A_230 = arith.constant 0 : i32
      %dma_wait3A_231 = tpu.memref_slice %arg7[%dma_wait3A, %dma_wait3A_230] : memref<100000x128xf32, #tpu.memory_space<hbm>> -> memref<128x32xf32, #tpu.memory_space<hbm>>
      %dma_wait3A_232 = arith.constant 0 : i32
      %dma_wait3A_233 = arith.constant 0 : i32
      %dma_wait3A_234 = tpu.memref_slice %arg7[%dma_wait3A_232, %dma_wait3A_233] : memref<100000x128xf32, #tpu.memory_space<hbm>> -> memref<128x32xf32, #tpu.memory_space<hbm>>
      tpu.wait_dma2 semaphore(%arg14 : memref<!tpu.dma_semaphore, #tpu.memory_space<semaphore_mem>>) src(%arg10 : memref<128x32xf32, #tpu.memory_space<vmem>>) dst(%dma_wait3A_234 : memref<128x32xf32, #tpu.memory_space<hbm>>)
    } else {
    }
    return
  }
}

</mosaic_0001>

<sc_bundles>
// kernel: _sc_gather.3.cloned.1.call-start
scs
__scs_entry_jumppad:
0x0: {  	(pc) =	sbr.rel $0x88, $3  }
0x1: {  	(tag) =	ssettag $0x0;
	lr =	simm.s32 $0x1  }
0x2: {  	[smem:$0x3F9C] =	sst lr;
	_ =	strace $0xD0000000  }
0x3: {  	_ = 	snop  }
0x4: {  	_ = 	snop  }
0x5: {  	_ = 	snop  }
0x6: {  	_ = 	snop  }
0x7: {  	_ = 	snop  }
__scs_overlays_trampoline_lowered:
0x8: {  	[smem:$0x3FAB] =	sst s0  }
0x9: {  	[smem:$0x3FAC] =	sst s1  }
0xa: {  	[smem:$0x3FAD] =	sst s2  }
0xb: {  	[smem:$0x3FAE] =	sst s3  }
0xc: {  	[smem:$0x3FAF] =	sst s4  }
0xd: {  	[smem:$0x3FB0] =	sst s5  }
0xe: {  	[smem:$0x3FB1] =	sst s6  }
0xf: {  	[smem:$0x3FB2] =	sst s7  }
0x10: {  	[smem:$0x3FB3] =	sst s8  }
0x11: {  	[smem:$0x3FB4] =	sst s9;
	s0 =	simm.s32 @!p0 $0x0  }
0x12: {  	s1 =	sld [smem:$0x3F9A];
	s0 =	simm.s32 @p0 $0x1  }
0x13: {  	[smem:$0x3FB5] =	sst s0;
	s0 =	simm.s32 @!p1 $0x0  }
0x14: {  	s2 =	sld [smem:$0x3F99];
	s0 =	simm.s32 @p1 $0x1  }
0x15: {  	[smem:$0x3FB6] =	sst s0;
	s0 =	simm.s32 @!p2 $0x0  }
0x16: {  	s3 =	sld [smem:$0x3FDB];
	s0 =	simm.s32 @p2 $0x1  }
0x17: {  	s4 =	simm.s32 $0x1BF5;
	[smem:$0x3FB8] =	sst s0  }
0x18: {  	s0 =	sld [smem:$0x3F9B];
	_ =	swait.ge [sflag:s4], $0x0  }
0x19: {  	s7 =	sld [smem:$0x3F9C]  }
0x1a: {  	s8 =	sadd.s32 $0xFFFFE003, lr  }
0x1b: {  	s9 =	sadd.s32 $0xFFFFFEF7, lr;
	s5 =	simm.s32 $0xFFFFFFFF;
	p2 =	slt.u32 s8, $0xFFFFF086  }
0x1c: {  	p1 =	slt.u32 s9, $0xF7A;
	s5 =	simm.s32 @!p2 $0x0  }
0x1d: {  	s5 =	simm.s32 @p1 $0x1;
	p0 =	seq.s32 s7, s2  }
0x1e: {  	s7 =	smul.u32 @!p0 $0xF7A, s2;
	p2 =	seq.s32 @!p0 s5, $0x0  }
0x1f: {  	s9 =	smul.u32 $0xF7A, s1;
	s8 =	simm.s32 @!p0 $0x1BF5;
	p2 =	por !p2, p0  }
0x20: {  	[sflag:s8] =	ssyncset.s32 @!p0 $0xFFFFF086;
	s6 =	sadd.s32 @!p0 s3, s7;
	s7 =	simm.s32 @!p0 $0x108  }
0x21: {  	s3 =	sadd.s32 s3, s9;
	s6 =	sadd.s32 @!p0 $0x88, s6;
	s7 =	simm.s32 @p2 $0x1082  }
0x22: {  	[simem:s7], [sflag:s8] =	dma.local @!p0 [hbm:s6], $0xF7A  }
0x23: {  	s9 =	sor.u32 $0xD0000000, s2;
	s6 =	simm.s32 $0x108;
	_ =	swait.ge @!p0 [sflag:s8], $0x0  }
0x24: {  	s3 =	sadd.s32 $0x88, s3;
	s6 =	simm.s32 @!p1 $0x1082;
	[sflag:s4] =	ssyncset.s32 $0xFFFFF086  }
0x25: {  	[simem:s6], [sflag:s4] =	dma.local [hbm:s3], $0xF7A  }
0x26: {  	[smem:$0x3F9C] =	sst s1;
	(tag) =	ssettag s2;
	_ =	strace s9  }
0x27: {  	s1 =	sld [smem:$0x3FAC]  }
0x28: {  	s2 =	sld [smem:$0x3FAD]  }
0x29: {  	s4 =	sld [smem:$0x3FAF]  }
0x2a: {  	p0 =	seq.s32 s5, $0x0;
	s5 =	sld [smem:$0x3FB0]  }
0x2b: {  	s6 =	sld [smem:$0x3FB1]  }
0x2c: {  	s7 =	sld [smem:$0x3FB2]  }
0x2d: {  	s3 =	simm.s32 $0x108;
	s8 =	sld [smem:$0x3FB3]  }
0x2e: {  	s3 =	simm.s32 @!p0 $0x1082;
	s9 =	sld [smem:$0x3FB4]  }
0x2f: {  	lr =	sadd.s32 s0, s3;
	s0 =	sld [smem:$0x3FAB]  }
0x30: {  	s3 =	sld [smem:$0x3FAE]  }
0x31: {  	[smem:$0x3FB7] =	sst s10  }
0x32: {  	s10 =	sld [smem:$0x3FB5];
	_ =	sdelay $0x3  }
0x33: {  	p0 =	seq.s32 s10, $0x1;
	s10 =	sld [smem:$0x3FB7];
	_ =	sdelay $0x3  }
0x34: {  	[smem:$0x3FB7] =	sst s10  }
0x35: {  	s10 =	sld [smem:$0x3FB6];
	_ =	sdelay $0x3  }
0x36: {  	p1 =	seq.s32 s10, $0x1;
	s10 =	sld [smem:$0x3FB7];
	_ =	sdelay $0x3  }
0x37: {  	[smem:$0x3FB7] =	sst s10  }
0x38: {  	s10 =	sld [smem:$0x3FB8]  }
0x39: {  	_ = 	snop;
	(pc) =	sbr.ind lr, $3  }
0x3a: {  	_ = 	snop  }
0x3b: {  	_ = 	snop  }
0x3c: {  	p2 =	seq.s32 s10, $0x1;
	s10 =	sld [smem:$0x3FB7]  }
0x3d: {  	_ =	shalt  }
0x3e: {  	_ =	shalt  }
0x3f: {  	_ =	shalt  }
0x40: {  	_ =	shalt  }
0x41: {  	_ =	shalt  }
0x42: {  	_ =	shalt  }
0x43: {  	_ =	shalt  }
0x44: {  	_ =	shalt  }
0x45: {  	_ =	shalt  }
0x46: {  	_ =	shalt  }
0x47: {  	_ =	shalt  }
0x48: {  	_ =	shalt  }
0x49: {  	_ =	shalt  }
0x4a: {  	_ =	shalt  }
0x4b: {  	_ =	shalt  }
0x4c: {  	_ =	shalt  }
0x4d: {  	_ =	shalt  }
0x4e: {  	_ =	shalt  }
0x4f: {  	_ =	shalt  }
0x50: {  	_ =	shalt  }
0x51: {  	_ =	shalt  }
0x52: {  	_ =	shalt  }
0x53: {  	_ =	shalt  }
0x54: {  	_ =	shalt  }
0x55: {  	_ =	shalt  }
0x56: {  	_ =	shalt  }
0x57: {  	_ =	shalt  }
0x58: {  	_ =	shalt  }
0x59: {  	_ =	shalt  }
0x5a: {  	_ =	shalt  }
0x5b: {  	_ =	shalt  }
0x5c: {  	_ =	shalt  }
0x5d: {  	_ =	shalt  }
0x5e: {  	_ =	shalt  }
0x5f: {  	_ =	shalt  }
0x60: {  	_ =	shalt  }
0x61: {  	_ =	shalt  }
0x62: {  	_ =	shalt  }
0x63: {  	_ =	shalt  }
0x64: {  	_ =	shalt  }
0x65: {  	_ =	shalt  }
0x66: {  	_ =	shalt  }
0x67: {  	_ =	shalt  }
0x68: {  	_ =	shalt  }
0x69: {  	_ =	shalt  }
0x6a: {  	_ =	shalt  }
0x6b: {  	_ =	shalt  }
0x6c: {  	_ =	shalt  }
0x6d: {  	_ =	shalt  }
0x6e: {  	_ =	shalt  }
0x6f: {  	_ =	shalt  }
0x70: {  	_ =	shalt  }
0x71: {  	_ =	shalt  }
0x72: {  	_ =	shalt  }
0x73: {  	_ =	shalt  }
0x74: {  	_ =	shalt  }
0x75: {  	_ =	shalt  }
0x76: {  	_ =	shalt  }
0x77: {  	_ =	shalt  }
0x78: {  	_ =	shalt  }
0x79: {  	_ =	shalt  }
0x7a: {  	_ =	shalt  }
0x7b: {  	_ =	shalt  }
0x7c: {  	_ =	shalt  }
0x7d: {  	_ =	shalt  }
0x7e: {  	_ =	shalt  }
0x7f: {  	_ =	shalt  }
0x80: {  	_ =	shalt  }
0x81: {  	_ =	shalt  }
0x82: {  	_ =	shalt  }
0x83: {  	_ =	shalt  }
0x84: {  	_ =	shalt  }
0x85: {  	_ =	shalt  }
0x86: {  	_ =	shalt  }
0x87: {  	_ =	shalt  }
.Lfunc_end0:
.L_simem_size_0:
called_computation_lowered:
.L_overlay_start_0:
0x88: {  	s2 =	sld [smem:$0x3FD9]  }
0x89: {  	s3 =	sld [smem:$0x3FFE];
	_ =	sdelay $0x1  }
0x8a: {  	s1 =	srdreg.scid  }
0x8b: {  	s0 =	sand.u32 $0x1, s1  }
0x8c: {  	s17 =	sshll.u32 s0, $0xA;
	s2 =	sadd.s32 s3, s2  }
0x8d: {  	s2 =	sadd.s32 s2, s17  }
0x8e: {  	[smem:$0x3FC3] =	sst s2  }
0x8f: {  	_ = 	snop  }
0x90: {  	s2 =	sld [smem:$0x3FC5]  }
0x91: {  	s18 =	sld [smem:$0x3FD0];
	(tm) =	ssettm $0x1  }
0x92: {  	s4 =	sld [smem:$0x3FFB];
	_ =	sdelay $0x3  }
0x93: {  	_ =	strace s4  }
0x94: {  	s4 =	sld [smem:$0x3FFC];
	_ =	sdelay $0x3  }
0x95: {  	_ =	strace s4  }
0x96: {  	s4 =	sld [smem:$0x3FFD];
	_ =	sdelay $0x3  }
0x97: {  	_ =	strace s4  }
0x98: {  	_ =	strace $0x8FFFFFFF  }
0x99: {  	s19 =	sld [smem:$0x3FDB];
	_ =	sdelay $0x1  }
0x9a: {  	s5 =	simm.s32 $_scs_section_size  }
0x9b: {  	s6 =	simm.s32 $_size__tile_overlayer_lowered;
	s7 =	simm.s32 $_tile_overlayer_lowered  }
0x9c: {  	s22 =	simm.s32 $0x1BFF;
	s21 =	sshll.u32 s7, $0x1;
	s4 =	sadd.s32 s5, s19  }
0x9d: {  	s8 =	simm.s32 $0x0;
	s20 =	sshll.u32 s6, $0x1;
	s6 =	sadd.s32 s21, s4  }
0x9e: {  	[timem:s8], [sflag:s22] =	dma.local [hbm:s6], s20  }
0x9f: {  	_ =	swait.ge [sflag:s22], s20  }
0xa0: {  	s5 =	ssub.s32 $0x0, s20;
	[sflag:s22] =	ssyncset.done $0x0  }
0xa1: {  	[sflag:s22] =	ssyncadd.s32 s5;
	_ =	sdelay $0x1  }
0xa2: {  	s23 =	simm.s32 $0x1B8B  }
0xa3: {  	_ =	swait.ge [sflag:s23], $0x1  }
0xa4: {  	[sflag:s23] =	ssyncset.done $0x0  }
0xa5: {  	s25 =	simm.s32 $0x1B8E;
	s24 =	sld [smem:$0x3FFE];
	[sflag:s23] =	ssyncadd.s32 $0xFFFFFFFF  }
0xa6: {  	s26 =	simm.s32 $execute0_lowered;
	[smem:$0x3FD2] =	sst s25  }
0xa7: {  	s6 =	sshll.u32 s26, $0x1;
	_ =	strace $0x80000046;
	[dreg:$0x1] =	wrdreg $0xFFFFFFFF  }
0xa8: {  	s28 =	simm.s32 $_size_execute0_lowered;
	s4 =	sadd.s32 s4, s6;
	[dreg:$0x0] =	wrdreg $0x0  }
0xa9: {  	s6 =	sshll.u32 s28, $0x1;
	[dreg:$0x2] =	wrdreg s4  }
0xaa: {  	[dreg:$0x3] =	wrdreg s6  }
0xab: {  	[dreg:$0x4] =	wrdreg $0xC0  }
0xac: {  	_ =	task [dreg:s8], $0x5FFFF  }
0xad: {  	[dreg:$0x1] =	wrdreg $0xFFFFFFFF  }
0xae: {  	[dreg:$0x0] =	wrdreg $0x60  }
0xaf: {  	[dreg:$0x2] =	wrdreg s24  }
0xb0: {  	[dreg:$0x3] =	wrdreg s2  }
0xb1: {  	[dreg:$0x4] =	wrdreg s18  }
0xb2: {  	[dreg:$0x5] =	wrdreg $0x9  }
0xb3: {  	_ =	task.clear_ibuf [dreg:s8], $0x6FFFF;
	_ =	strace $0x90000046  }
0xb4: {  	s29 =	simm.s32 $0x9;
	_ =	strace $0x80000048  }
0xb5: {  	_ =	swait.ge [sflag:s29], $0x1  }
0xb6: {  	[sflag:s29] =	ssyncadd.s32 $0xFFFFFFFF  }
0xb7: {  	_ =	strace $0x90000048  }
0xb8: {  	_ =	sfence  }
0xb9: {  	s30 =	sld [smem:$0x0];
	_ =	sdelay $0x2  }
0xba: {  	s31 =	sshll.u32 s1, $0xD;
	s1 =	sshrl.u32 s1, $0x2  }
0xbb: {  	s3 =	sand.u32 $0x4000, s31;
	s1 =	sadd.s32 s1, s30  }
0xbc: {  	s0 =	sor.u32 s3, s0;
	s1 =	sshll.u32 s1, $0x11  }
0xbd: {  	s0 =	sor.u32 s1, s0  }
0xbe: {  	s0 =	sadd.s32 $0x8F2B, s0  }
0xbf: {  	[sflag:s0] =	ssyncadd.remote.s32 $0x1  }
0xc0: {  	_ =	sfence.sel $0xFFFF  }
0xc1: {  	[dreg:$0x0] =	wrdreg $0xFFFFFFFF;
	(pc) =	sbr.abs _section_cstart, $3  }
0xc2: {  	[dreg:$0x1] =	wrdreg $0xFFFFFFFF  }
0xc3: {  	_ =	task.clear_ibuf [dreg:s8], $0x2FFFF;
	_ =	strace $0x9FFFFFFF  }
0xc4: {  	(tm) =	ssettm $0x7FFFFFFF  }
0xc5: {  	_ =	shalt  }
tec
execute0_lowered:
.L_overlay_start_1:
0x0: {  	(tag) =	ssettag $0x1  }
0x1: {  	s0 =	rddreg [dreg:$0x0]  }
0x2: {  	s1 =	rddreg [dreg:$0x1];
	s3 =	srdreg.scid  }
0x3: {  	s4 =	stileid.u32;
	s2 =	rddreg [dreg:$0x2];
	s5 =	simm.s32 $0x0  }
0x4: {  	s13 =	simm.s32 $0x5;
	s14 =	simm.s32 $0x80;
	s15 =	simm.s32 $0xC800  }
0x5: {  	s28 =	simm.s32 $0x680;
	s29 =	simm.s32 $0x700;
	s30 =	simm.s32 $0x780  }
0x6: {  	s31 =	simm.s32 $0xD800;
	s3 =	sand.u32 $0x1, s3;
	s4 =	sshll.u32 s4, $0x1  }
0x7: {  	s16 =	simm.s32 $0x0;
	[smem:$0x7FF] =	sst s5;
	s4 =	sor.u32 s3, s4  }
0x8: {  	s5 =	sadd.s32 $0x7A1600, s0;
	s6 =	sadd.s32 $0x928000, s0;
	s10 =	smul.u32 $0x30E, s4  }
0x9: {  	_ =	strace $0x80000047;
	s3 =	ssub.s32 $0x2, s3;
	s4 =	sadd.s32 $0x61AC00, s0  }
0xa: {  	s24 =	sshrl.u32 s3, $0x1;
	s8 =	sadd.s32 $0x30E, s10;
	s7 =	sshrl.u32 s10, $0x5  }
0xb: {  	s25 =	sshll.u32 s10, $0x3;
	s11 =	sshrl.u32 s8, $0x5;
	s8 =	sadd.s32 $0xAAEA00, s0  }
0xc: {  	s0 =	ssub.s32 s3, s24;
	s3 =	sand.u32 $0x3FF00, s25;
	s24 =	simm.s32 $0x500  }
0xd: {  	s25 =	simm.s32 $0x580;
	s9 =	ssub.s32 s11, s7;
	p1 =	seq.s32 s11, $0x30E  }
.Ltmp0:
0xe: {  	s10 =	sadd.s32 s1, s3;
	s26 =	sand.u32 $0x1, s9;
	(pc) =	sbr.rel .LBB2_1-.Ltmp0, $4  }
0xf: {  	s11 =	sadd.s32 $0x186800, s2;
	s12 =	smax.u32 s0, $0x1;
	p0 =	seq.s32 s26, $0x1  }
0x10: {  	s1 =	simm.s32 $0x1;
	s0 =	simm.s32 $0x3;
	p3 =	por !p0, !p0  }
0x11: {  	s3 =	simm.s32 $0x2;
	p2 =	por !p1, !p0;
	p1 =	por !p1, !p3  }
0x12: {  	v0 =	vimm.f32 $0.0e+00;
	s26 =	simm.s32 $0x600;
	p0 =	por !p2, !p2;
	p1 =	por !p1, !p1  }
.LBB2_17:
0x13: {  	s17 =	simm.s32 @!p0 $0x3  }
0x14: {  	_ =	swait.ge @!p0 [sflag:s17], $0x1000  }
0x15: {  	[sflag:s17] =	ssyncset.done @!p0 $0x0  }
0x16: {  	[sflag:s17] =	ssyncadd.s32 @!p0 $0xFFFFF000;
	s17 =	simm.s32 @p0 $0x3  }
0x17: {  	_ =	swait.ge @p0 [sflag:s17], $0x400  }
0x18: {  	[sflag:s17] =	ssyncset.done @p0 $0x0  }
0x19: {  	s16 =	sadd.s32 $0x1, s16;
	[sflag:s17] =	ssyncadd.s32 @p0 $0xFFFFFC00;
	s17 =	simm.s32 @!p1 $0x4  }
0x1a: {  	p2 =	sne.s32 s16, s12;
	_ =	swait.ge @!p1 [sflag:s17], $0x1000  }
.Ltmp1:
0x1b: {  	[sflag:s17] =	ssyncset.done @!p1 $0x0;
	(pc) =	sbr.rel @!p2 .LBB2_18-.Ltmp1, $4  }
0x1c: {  	[sflag:s17] =	ssyncadd.s32 @!p1 $0xFFFFF000;
	s17 =	simm.s32 @p1 $0x4  }
0x1d: {  	_ =	swait.ge @p1 [sflag:s17], $0x400  }
0x1e: {  	[sflag:s17] =	ssyncset.done @p1 $0x0  }
0x1f: {  	[sflag:s17] =	ssyncadd.s32 @p1 $0xFFFFFC00  }
.LBB2_1:
0x20: {  	s17 =	simm.s32 $0x0  }
0x21: {  	[tilespmem:s17], [sflag:$0x5] =	stream.linear.gather [hbm4b:s10+s17], $0xC800, $0x38;
	[tilespmem:$0xE800] =	vst v63  }
0x22: {  	_ =	swait.ge [sflag:s13], $0xC800  }
0x23: {  	[sflag:s13] =	ssyncset.done $0x0  }
0x24: {  	s18 =	simm.s32 $0x0;
	s17 =	simm.s32 $0x80;
	[sflag:s13] =	ssyncadd.s32 $0xFFFF3800  }
.LBB2_2:
0x25: {  	p2 =	sne.s32 s17, $0x3F80;
	[tilespmem:s18+$0xC800] =	vst v0;
	s19 =	smov.u32 s17;
	s17 =	sadd.s32 $0x80, s17  }
.Ltmp2:
0x26: {  	[tilespmem:s18+$0xC810] =	vst v0;
	(pc) =	sbr.rel @p2 .LBB2_2-.Ltmp2, $2  }
0x27: {  	_ =	sdelay $0x2  }
0x28: {  	s18 =	sshra.s32 s19, $0x2  }
0x29: {  	[tilespmem:s18+$0xC800] =	vst v0  }
0x2a: {  	[tilespmem:s18+$0xC810] =	vst v0;
	s17 =	simm.s32 $0x0  }
0x2b: {  	[tilespmem:s15], [sflag:$0x1] =	stream.indirect.gather.add.f32 [hbm:s4], $0x20, s17, s14, $0xb8;
	[tilespmem:$0xE800] =	vst v63  }
0x2c: {  	_ = 	snop  }
0x2d: {  	[tilespmem:s15], [sflag:$0x1] =	stream.indirect.gather.add.f32 [hbm:s4], $0x20, s14, s14, $0xb8;
	[tilespmem:$0xE800] =	vst v63  }
0x2e: {  	s21 =	simm.s32 $0x100  }
0x2f: {  	[tilespmem:s15], [sflag:$0x1] =	stream.indirect.gather.add.f32 [hbm:s4], $0x20, s21, s14, $0xb8;
	[tilespmem:$0xE800] =	vst v63  }
0x30: {  	s22 =	simm.s32 $0x180  }
0x31: {  	[tilespmem:s15], [sflag:$0x1] =	stream.indirect.gather.add.f32 [hbm:s4], $0x20, s22, s14, $0xb8;
	[tilespmem:$0xE800] =	vst v63  }
0x32: {  	s23 =	simm.s32 $0x200  }
0x33: {  	[tilespmem:s15], [sflag:$0x1] =	stream.indirect.gather.add.f32 [hbm:s5], $0x20, s23, s14, $0xb8;
	[tilespmem:$0xE800] =	vst v63  }
0x34: {  	s19 =	simm.s32 $0x280  }
0x35: {  	[tilespmem:s15], [sflag:$0x1] =	stream.indirect.gather.add.f32 [hbm:s5], $0x20, s19, s14, $0xb8;
	[tilespmem:$0xE800] =	vst v63  }
0x36: {  	s20 =	simm.s32 $0x300  }
0x37: {  	[tilespmem:s15], [sflag:$0x1] =	stream.indirect.gather.add.f32 [hbm:s5], $0x20, s20, s14, $0xb8;
	[tilespmem:$0xE800] =	vst v63  }
0x38: {  	s21 =	simm.s32 $0x380  }
0x39: {  	[tilespmem:s15], [sflag:$0x1] =	stream.indirect.gather.add.f32 [hbm:s5], $0x20, s21, s14, $0xb8;
	[tilespmem:$0xE800] =	vst v63  }
0x3a: {  	s22 =	simm.s32 $0x400  }
0x3b: {  	[tilespmem:s15], [sflag:$0x1] =	stream.indirect.gather.add.f32 [hbm:s6], $0x20, s22, s14, $0xb8;
	[tilespmem:$0xE800] =	vst v63  }
0x3c: {  	s23 =	simm.s32 $0x480  }
0x3d: {  	[tilespmem:s15], [sflag:$0x1] =	stream.indirect.gather.add.f32 [hbm:s6], $0x20, s23, s14, $0xb8;
	[tilespmem:$0xE800] =	vst v63  }
0x3e: {  	_ = 	snop  }
0x3f: {  	[tilespmem:s15], [sflag:$0x1] =	stream.indirect.gather.add.f32 [hbm:s6], $0x20, s24, s14, $0xb8;
	[tilespmem:$0xE800] =	vst v63  }
0x40: {  	_ = 	snop  }
0x41: {  	[tilespmem:s15], [sflag:$0x1] =	stream.indirect.gather.add.f32 [hbm:s6], $0x20, s25, s14, $0xb8;
	[tilespmem:$0xE800] =	vst v63  }
0x42: {  	_ = 	snop  }
0x43: {  	[tilespmem:s15], [sflag:$0x1] =	stream.indirect.gather.add.f32 [hbm:s8], $0x20, s26, s14, $0xb8;
	[tilespmem:$0xE800] =	vst v63  }
0x44: {  	_ = 	snop  }
0x45: {  	[tilespmem:s15], [sflag:$0x1] =	stream.indirect.gather.add.f32 [hbm:s8], $0x20, s28, s14, $0xb8;
	[tilespmem:$0xE800] =	vst v63  }
.Ltmp3:
0x46: {  	_ = 	snop;
	(pc) =	sbr.rel .LBB2_4-.Ltmp3, $4  }
0x47: {  	_ = 	snop  }
0x48: {  	[tilespmem:s15], [sflag:$0x1] =	stream.indirect.gather.add.f32 [hbm:s8], $0x20, s29, s14, $0xb8;
	[tilespmem:$0xE800] =	vst v63  }
0x49: {  	_ = 	snop  }
0x4a: {  	[tilespmem:s15], [sflag:$0x1] =	stream.indirect.gather.add.f32 [hbm:s8], $0x20, s30, s14, $0xb8;
	[tilespmem:$0xE800] =	vst v63  }
.LBB2_15:
0x4b: {  	_ =	swait.ge [sflag:s3], $0x1000  }
0x4c: {  	[sflag:s3] =	ssyncset.done $0x0  }
0x4d: {  	[sflag:s3] =	ssyncadd.s32 $0xFFFFF000  }
0x4e: {  	_ =	swait.ge [sflag:s3], $0x1000  }
0x4f: {  	[sflag:s3] =	ssyncset.done $0x0  }
0x50: {  	[sflag:s3] =	ssyncadd.s32 $0xFFFFF000  }
0x51: {  	_ =	swait.ge [sflag:s3], $0x1000  }
0x52: {  	[sflag:s3] =	ssyncset.done $0x0  }
0x53: {  	[sflag:s3] =	ssyncadd.s32 $0xFFFFF000  }
0x54: {  	_ =	swait.ge [sflag:s3], $0x1000  }
0x55: {  	[sflag:s3] =	ssyncset.done $0x0  }
0x56: {  	[sflag:s3] =	ssyncadd.s32 $0xFFFFF000  }
0x57: {  	_ =	swait.ge [sflag:s3], $0x1000  }
0x58: {  	[sflag:s3] =	ssyncset.done $0x0  }
0x59: {  	[sflag:s3] =	ssyncadd.s32 $0xFFFFF000  }
0x5a: {  	_ =	swait.ge [sflag:s3], $0x1000  }
0x5b: {  	[sflag:s3] =	ssyncset.done $0x0  }
0x5c: {  	[sflag:s3] =	ssyncadd.s32 $0xFFFFF000  }
0x5d: {  	_ =	swait.ge [sflag:s3], $0x1000  }
0x5e: {  	[sflag:s3] =	ssyncset.done $0x0  }
0x5f: {  	[sflag:s3] =	ssyncadd.s32 $0xFFFFF000  }
0x60: {  	_ =	swait.ge [sflag:s3], $0x1000  }
0x61: {  	[sflag:s3] =	ssyncset.done $0x0  }
0x62: {  	[sflag:s3] =	ssyncadd.s32 $0xFFFFF000  }
0x63: {  	_ =	swait.ge [sflag:s3], $0x1000  }
0x64: {  	[sflag:s3] =	ssyncset.done $0x0  }
0x65: {  	[sflag:s3] =	ssyncadd.s32 $0xFFFFF000  }
0x66: {  	_ =	swait.ge [sflag:s3], $0x1000  }
0x67: {  	[sflag:s3] =	ssyncset.done $0x0  }
0x68: {  	[sflag:s3] =	ssyncadd.s32 $0xFFFFF000  }
0x69: {  	_ =	swait.ge [sflag:s3], $0x1000  }
0x6a: {  	[sflag:s3] =	ssyncset.done $0x0  }
0x6b: {  	[sflag:s3] =	ssyncadd.s32 $0xFFFFF000  }
0x6c: {  	_ =	swait.ge [sflag:s3], $0x1000  }
0x6d: {  	[sflag:s3] =	ssyncset.done $0x0  }
0x6e: {  	[sflag:s3] =	ssyncadd.s32 $0xFFFFF000  }
0x6f: {  	_ =	swait.ge [sflag:s3], $0x1000  }
0x70: {  	[sflag:s3] =	ssyncset.done $0x0  }
0x71: {  	[sflag:s3] =	ssyncadd.s32 $0xFFFFF000  }
0x72: {  	_ =	swait.ge [sflag:s3], $0x1000  }
0x73: {  	[sflag:s3] =	ssyncset.done $0x0  }
0x74: {  	[sflag:s3] =	ssyncadd.s32 $0xFFFFF000  }
0x75: {  	_ =	swait.ge [sflag:s3], $0x1000  }
0x76: {  	s18 =	sadd.s32 s7, s18;
	[sflag:s3] =	ssyncset.done $0x0  }
0x77: {  	p2 =	sne.s32 s18, $0x30D;
	[sflag:s3] =	ssyncadd.s32 $0xFFFFF000  }
0x78: {  	s18 =	sshll.u32 @p2 s18, $0xB;
	_ =	swait.ge [sflag:s3], $0x1000  }
0x79: {  	s19 =	simm.s32 @p2 $0x20;
	s20 =	simm.s32 @p2 $0x80;
	[sflag:s3] =	ssyncset.done $0x0  }
0x7a: {  	s21 =	simm.s32 @p2 $0xD800;
	s18 =	sadd.s32 @p2 s2, s18;
	[sflag:s3] =	ssyncadd.s32 $0xFFFFF000  }
0x7b: {  	[hbm4b:s18+s19] =	stream.strided.scatter @p2 [tilespmem:s21], [sflag:$0x4], $0x1000, s20, s19, $0x38;
	[tilespmem:$0xE800] =	vst v63  }
0x7c: {  	s18 =	simm.s32 @!p2 $0x20;
	s19 =	simm.s32 @!p2 $0x80;
	s20 =	simm.s32 @!p2 $0xD800  }
0x7d: {  	[hbm4b:s11+s18] =	stream.strided.scatter @!p2 [tilespmem:s20], [sflag:$0x4], $0x400, s19, s18, $0x38;
	[tilespmem:$0xE800] =	vst v63  }
.LBB2_16:
0x7e: {  	s17 =	sadd.s32 $0x1, s17  }
0x7f: {  	p2 =	sne.s32 s17, $0xD  }
.Ltmp4:
0x80: {  	_ = 	snop;
	(pc) =	sbr.rel @!p2 .LBB2_17-.Ltmp4, $1  }
0x81: {  	_ =	sdelay $0x3  }
.LBB2_4:
0x82: {  	s19 =	sshll.u32 s17, $0x1  }
0x83: {  	p2 =	sge.s32 s19, s9  }
.Ltmp5:
0x84: {  	_ = 	snop;
	(pc) =	sbr.rel @p2 .LBB2_10-.Ltmp5, $2  }
0x85: {  	_ =	sdelay $0x2  }
0x86: {  	s18 =	sshllo.u32 s17, $0x1  }
0x87: {  	p2 =	sge.u32 s18, s9  }
.Ltmp6:
0x88: {  	_ = 	snop;
	(pc) =	sbr.rel @p2 .LBB2_9-.Ltmp6, $1  }
0x89: {  	_ =	sdelay $0x3  }
0x8a: {  	p2 =	seq.s32 s17, $0x0  }
0x8b: {  	s20 =	simm.s32 @!p2 $0x4  }
0x8c: {  	_ =	swait.ge @!p2 [sflag:s20], $0x1000  }
0x8d: {  	[sflag:s20] =	ssyncset.done @!p2 $0x0  }
0x8e: {  	s21 =	simm.s32 $0x0;
	[sflag:s20] =	ssyncadd.s32 @!p2 $0xFFFFF000;
	s20 =	simm.s32 $0x80  }
.LBB2_7:
0x8f: {  	p2 =	sne.s32 s20, $0x3F80;
	[tilespmem:s21+$0xD800] =	vst v0;
	s22 =	smov.u32 s20;
	s20 =	sadd.s32 $0x80, s20  }
.Ltmp7:
0x90: {  	[tilespmem:s21+$0xD810] =	vst v0;
	(pc) =	sbr.rel @p2 .LBB2_7-.Ltmp7, $2  }
0x91: {  	_ =	sdelay $0x2  }
0x92: {  	s21 =	sshra.s32 s22, $0x2  }
0x93: {  	[tilespmem:s21+$0xD800] =	vst v0;
	s20 =	sshll.u32 s18, $0xB  }
0x94: {  	[tilespmem:s21+$0xD810] =	vst v0;
	s20 =	sand.u32 $0x3FFFF800, s20  }
0x95: {  	[tilespmem:s31], [sflag:$0x2] =	stream.indirect.gather.add.f32 [hbm:s4], $0x20, s20, s14, $0xb8;
	[tilespmem:$0xE800] =	vst v63  }
0x96: {  	s22 =	sor.u32 $0x80, s20  }
0x97: {  	[tilespmem:s31], [sflag:$0x2] =	stream.indirect.gather.add.f32 [hbm:s4], $0x20, s22, s14, $0xb8;
	[tilespmem:$0xE800] =	vst v63  }
0x98: {  	s23 =	sor.u32 $0x100, s20  }
0x99: {  	[tilespmem:s31], [sflag:$0x2] =	stream.indirect.gather.add.f32 [hbm:s4], $0x20, s23, s14, $0xb8;
	[tilespmem:$0xE800] =	vst v63  }
0x9a: {  	s22 =	sor.u32 $0x180, s20  }
0x9b: {  	[tilespmem:s31], [sflag:$0x2] =	stream.indirect.gather.add.f32 [hbm:s4], $0x20, s22, s14, $0xb8;
	[tilespmem:$0xE800] =	vst v63  }
0x9c: {  	s23 =	sor.u32 $0x200, s20  }
0x9d: {  	[tilespmem:s31], [sflag:$0x2] =	stream.indirect.gather.add.f32 [hbm:s5], $0x20, s23, s14, $0xb8;
	[tilespmem:$0xE800] =	vst v63  }
0x9e: {  	s22 =	sor.u32 $0x280, s20  }
0x9f: {  	[tilespmem:s31], [sflag:$0x2] =	stream.indirect.gather.add.f32 [hbm:s5], $0x20, s22, s14, $0xb8;
	[tilespmem:$0xE800] =	vst v63  }
0xa0: {  	s23 =	sor.u32 $0x300, s20  }
0xa1: {  	[tilespmem:s31], [sflag:$0x2] =	stream.indirect.gather.add.f32 [hbm:s5], $0x20, s23, s14, $0xb8;
	[tilespmem:$0xE800] =	vst v63  }
0xa2: {  	s22 =	sor.u32 $0x380, s20  }
0xa3: {  	[tilespmem:s31], [sflag:$0x2] =	stream.indirect.gather.add.f32 [hbm:s5], $0x20, s22, s14, $0xb8;
	[tilespmem:$0xE800] =	vst v63  }
0xa4: {  	s23 =	sor.u32 $0x400, s20  }
0xa5: {  	[tilespmem:s31], [sflag:$0x2] =	stream.indirect.gather.add.f32 [hbm:s6], $0x20, s23, s14, $0xb8;
	[tilespmem:$0xE800] =	vst v63  }
0xa6: {  	s22 =	sor.u32 $0x480, s20  }
0xa7: {  	[tilespmem:s31], [sflag:$0x2] =	stream.indirect.gather.add.f32 [hbm:s6], $0x20, s22, s14, $0xb8;
	[tilespmem:$0xE800] =	vst v63  }
0xa8: {  	s23 =	sor.u32 $0x500, s20  }
0xa9: {  	[tilespmem:s31], [sflag:$0x2] =	stream.indirect.gather.add.f32 [hbm:s6], $0x20, s23, s14, $0xb8;
	[tilespmem:$0xE800] =	vst v63  }
0xaa: {  	s22 =	sor.u32 $0x580, s20  }
0xab: {  	[tilespmem:s31], [sflag:$0x2] =	stream.indirect.gather.add.f32 [hbm:s6], $0x20, s22, s14, $0xb8;
	[tilespmem:$0xE800] =	vst v63  }
0xac: {  	s23 =	sor.u32 $0x600, s20  }
0xad: {  	[tilespmem:s31], [sflag:$0x2] =	stream.indirect.gather.add.f32 [hbm:s8], $0x20, s23, s14, $0xb8;
	[tilespmem:$0xE800] =	vst v63  }
0xae: {  	s22 =	sor.u32 $0x680, s20  }
0xaf: {  	[tilespmem:s31], [sflag:$0x2] =	stream.indirect.gather.add.f32 [hbm:s8], $0x20, s22, s14, $0xb8;
	[tilespmem:$0xE800] =	vst v63  }
0xb0: {  	s23 =	sor.u32 $0x700, s20  }
0xb1: {  	[tilespmem:s31], [sflag:$0x2] =	stream.indirect.gather.add.f32 [hbm:s8], $0x20, s23, s14, $0xb8;
	[tilespmem:$0xE800] =	vst v63  }
0xb2: {  	s20 =	sor.u32 $0x780, s20  }
0xb3: {  	[tilespmem:s31], [sflag:$0x2] =	stream.indirect.gather.add.f32 [hbm:s8], $0x20, s20, s14, $0xb8;
	[tilespmem:$0xE800] =	vst v63  }
.LBB2_9:
0xb4: {  	_ =	swait.ge [sflag:s1], $0x1000  }
0xb5: {  	[sflag:s1] =	ssyncset.done $0x0  }
0xb6: {  	[sflag:s1] =	ssyncadd.s32 $0xFFFFF000  }
0xb7: {  	_ =	swait.ge [sflag:s1], $0x1000  }
0xb8: {  	[sflag:s1] =	ssyncset.done $0x0  }
0xb9: {  	[sflag:s1] =	ssyncadd.s32 $0xFFFFF000  }
0xba: {  	_ =	swait.ge [sflag:s1], $0x1000  }
0xbb: {  	[sflag:s1] =	ssyncset.done $0x0  }
0xbc: {  	[sflag:s1] =	ssyncadd.s32 $0xFFFFF000  }
0xbd: {  	_ =	swait.ge [sflag:s1], $0x1000  }
0xbe: {  	[sflag:s1] =	ssyncset.done $0x0  }
0xbf: {  	[sflag:s1] =	ssyncadd.s32 $0xFFFFF000  }
0xc0: {  	_ =	swait.ge [sflag:s1], $0x1000  }
0xc1: {  	[sflag:s1] =	ssyncset.done $0x0  }
0xc2: {  	[sflag:s1] =	ssyncadd.s32 $0xFFFFF000  }
0xc3: {  	_ =	swait.ge [sflag:s1], $0x1000  }
0xc4: {  	[sflag:s1] =	ssyncset.done $0x0  }
0xc5: {  	[sflag:s1] =	ssyncadd.s32 $0xFFFFF000  }
0xc6: {  	_ =	swait.ge [sflag:s1], $0x1000  }
0xc7: {  	[sflag:s1] =	ssyncset.done $0x0  }
0xc8: {  	[sflag:s1] =	ssyncadd.s32 $0xFFFFF000  }
0xc9: {  	_ =	swait.ge [sflag:s1], $0x1000  }
0xca: {  	[sflag:s1] =	ssyncset.done $0x0  }
0xcb: {  	[sflag:s1] =	ssyncadd.s32 $0xFFFFF000  }
0xcc: {  	_ =	swait.ge [sflag:s1], $0x1000  }
0xcd: {  	[sflag:s1] =	ssyncset.done $0x0  }
0xce: {  	[sflag:s1] =	ssyncadd.s32 $0xFFFFF000  }
0xcf: {  	_ =	swait.ge [sflag:s1], $0x1000  }
0xd0: {  	[sflag:s1] =	ssyncset.done $0x0  }
0xd1: {  	[sflag:s1] =	ssyncadd.s32 $0xFFFFF000  }
0xd2: {  	_ =	swait.ge [sflag:s1], $0x1000  }
0xd3: {  	[sflag:s1] =	ssyncset.done $0x0  }
0xd4: {  	[sflag:s1] =	ssyncadd.s32 $0xFFFFF000  }
0xd5: {  	_ =	swait.ge [sflag:s1], $0x1000  }
0xd6: {  	[sflag:s1] =	ssyncset.done $0x0  }
0xd7: {  	[sflag:s1] =	ssyncadd.s32 $0xFFFFF000  }
0xd8: {  	_ =	swait.ge [sflag:s1], $0x1000  }
0xd9: {  	[sflag:s1] =	ssyncset.done $0x0  }
0xda: {  	[sflag:s1] =	ssyncadd.s32 $0xFFFFF000  }
0xdb: {  	_ =	swait.ge [sflag:s1], $0x1000  }
0xdc: {  	[sflag:s1] =	ssyncset.done $0x0  }
0xdd: {  	[sflag:s1] =	ssyncadd.s32 $0xFFFFF000  }
0xde: {  	_ =	swait.ge [sflag:s1], $0x1000  }
0xdf: {  	s20 =	sadd.s32 s7, s19;
	[sflag:s1] =	ssyncset.done $0x0  }
0xe0: {  	p2 =	sne.s32 s20, $0x30D;
	[sflag:s1] =	ssyncadd.s32 $0xFFFFF000  }
0xe1: {  	s20 =	sshll.u32 @p2 s20, $0xB;
	_ =	swait.ge [sflag:s1], $0x1000  }
0xe2: {  	s21 =	simm.s32 @p2 $0x20;
	s22 =	simm.s32 @p2 $0x80;
	[sflag:s1] =	ssyncset.done $0x0  }
0xe3: {  	s23 =	simm.s32 @p2 $0xC800;
	s20 =	sadd.s32 @p2 s2, s20;
	[sflag:s1] =	ssyncadd.s32 $0xFFFFF000  }
0xe4: {  	[hbm4b:s20+s21] =	stream.strided.scatter @p2 [tilespmem:s23], [sflag:$0x3], $0x1000, s22, s21, $0x38;
	[tilespmem:$0xE800] =	vst v63  }
0xe5: {  	s20 =	simm.s32 @!p2 $0x20;
	s21 =	simm.s32 @!p2 $0x80;
	s22 =	simm.s32 @!p2 $0xC800  }
0xe6: {  	[hbm4b:s11+s20] =	stream.strided.scatter @!p2 [tilespmem:s22], [sflag:$0x3], $0x400, s21, s20, $0x38;
	[tilespmem:$0xE800] =	vst v63  }
.LBB2_10:
0xe7: {  	p2 =	sge.s32 s18, s9  }
.Ltmp8:
0xe8: {  	_ = 	snop;
	(pc) =	sbr.rel @p2 .LBB2_16-.Ltmp8, $1  }
0xe9: {  	_ =	sdelay $0x3  }
0xea: {  	s19 =	sadd.s32 $0x2, s19  }
0xeb: {  	p2 =	sge.s32 s19, s9  }
.Ltmp9:
0xec: {  	_ = 	snop;
	(pc) =	sbr.rel @p2 .LBB2_15-.Ltmp9, $1  }
0xed: {  	_ =	sdelay $0x3  }
0xee: {  	_ =	swait.ge [sflag:s0], $0x1000  }
0xef: {  	[sflag:s0] =	ssyncset.done $0x0  }
0xf0: {  	s20 =	simm.s32 $0x80;
	s21 =	simm.s32 $0x0;
	[sflag:s0] =	ssyncadd.s32 $0xFFFFF000  }
.LBB2_13:
0xf1: {  	p2 =	sne.s32 s20, $0x3F80;
	[tilespmem:s21+$0xC800] =	vst v0;
	s22 =	smov.u32 s20;
	s20 =	sadd.s32 $0x80, s20  }
.Ltmp10:
0xf2: {  	[tilespmem:s21+$0xC810] =	vst v0;
	(pc) =	sbr.rel @p2 .LBB2_13-.Ltmp10, $2  }
0xf3: {  	_ =	sdelay $0x2  }
0xf4: {  	s21 =	sshra.s32 s22, $0x2  }
0xf5: {  	[tilespmem:s21+$0xC800] =	vst v0;
	s19 =	sshll.u32 s19, $0xB  }
0xf6: {  	[tilespmem:s21+$0xC810] =	vst v0;
	s19 =	sand.u32 $0x3FFFF800, s19  }
0xf7: {  	[tilespmem:s15], [sflag:$0x1] =	stream.indirect.gather.add.f32 [hbm:s4], $0x20, s19, s14, $0xb8;
	[tilespmem:$0xE800] =	vst v63  }
0xf8: {  	s20 =	sor.u32 $0x80, s19  }
0xf9: {  	[tilespmem:s15], [sflag:$0x1] =	stream.indirect.gather.add.f32 [hbm:s4], $0x20, s20, s14, $0xb8;
	[tilespmem:$0xE800] =	vst v63  }
0xfa: {  	s23 =	sor.u32 $0x100, s19  }
0xfb: {  	[tilespmem:s15], [sflag:$0x1] =	stream.indirect.gather.add.f32 [hbm:s4], $0x20, s23, s14, $0xb8;
	[tilespmem:$0xE800] =	vst v63  }
0xfc: {  	s21 =	sor.u32 $0x180, s19  }
0xfd: {  	[tilespmem:s15], [sflag:$0x1] =	stream.indirect.gather.add.f32 [hbm:s4], $0x20, s21, s14, $0xb8;
	[tilespmem:$0xE800] =	vst v63  }
0xfe: {  	s22 =	sor.u32 $0x200, s19  }
0xff: {  	[tilespmem:s15], [sflag:$0x1] =	stream.indirect.gather.add.f32 [hbm:s5], $0x20, s22, s14, $0xb8;
	[tilespmem:$0xE800] =	vst v63  }
0x100: {  	s23 =	sor.u32 $0x280, s19  }
0x101: {  	[tilespmem:s15], [sflag:$0x1] =	stream.indirect.gather.add.f32 [hbm:s5], $0x20, s23, s14, $0xb8;
	[tilespmem:$0xE800] =	vst v63  }
0x102: {  	s21 =	sor.u32 $0x300, s19  }
0x103: {  	[tilespmem:s15], [sflag:$0x1] =	stream.indirect.gather.add.f32 [hbm:s5], $0x20, s21, s14, $0xb8;
	[tilespmem:$0xE800] =	vst v63  }
0x104: {  	s22 =	sor.u32 $0x380, s19  }
0x105: {  	[tilespmem:s15], [sflag:$0x1] =	stream.indirect.gather.add.f32 [hbm:s5], $0x20, s22, s14, $0xb8;
	[tilespmem:$0xE800] =	vst v63  }
0x106: {  	s23 =	sor.u32 $0x400, s19  }
0x107: {  	[tilespmem:s15], [sflag:$0x1] =	stream.indirect.gather.add.f32 [hbm:s6], $0x20, s23, s14, $0xb8;
	[tilespmem:$0xE800] =	vst v63  }
0x108: {  	s21 =	sor.u32 $0x480, s19  }
0x109: {  	[tilespmem:s15], [sflag:$0x1] =	stream.indirect.gather.add.f32 [hbm:s6], $0x20, s21, s14, $0xb8;
	[tilespmem:$0xE800] =	vst v63  }
0x10a: {  	s22 =	sor.u32 $0x500, s19  }
0x10b: {  	[tilespmem:s15], [sflag:$0x1] =	stream.indirect.gather.add.f32 [hbm:s6], $0x20, s22, s14, $0xb8;
	[tilespmem:$0xE800] =	vst v63  }
0x10c: {  	s23 =	sor.u32 $0x580, s19  }
0x10d: {  	[tilespmem:s15], [sflag:$0x1] =	stream.indirect.gather.add.f32 [hbm:s6], $0x20, s23, s14, $0xb8;
	[tilespmem:$0xE800] =	vst v63  }
0x10e: {  	s21 =	sor.u32 $0x600, s19  }
0x10f: {  	[tilespmem:s15], [sflag:$0x1] =	stream.indirect.gather.add.f32 [hbm:s8], $0x20, s21, s14, $0xb8;
	[tilespmem:$0xE800] =	vst v63  }
0x110: {  	s22 =	sor.u32 $0x680, s19  }
0x111: {  	[tilespmem:s15], [sflag:$0x1] =	stream.indirect.gather.add.f32 [hbm:s8], $0x20, s22, s14, $0xb8;
	[tilespmem:$0xE800] =	vst v63  }
.Ltmp11:
0x112: {  	_ = 	snop;
	(pc) =	sbr.rel .LBB2_15-.Ltmp11, $4  }
0x113: {  	s23 =	sor.u32 $0x700, s19  }
0x114: {  	[tilespmem:s15], [sflag:$0x1] =	stream.indirect.gather.add.f32 [hbm:s8], $0x20, s23, s14, $0xb8;
	[tilespmem:$0xE800] =	vst v63  }
0x115: {  	s19 =	sor.u32 $0x780, s19  }
0x116: {  	[tilespmem:s15], [sflag:$0x1] =	stream.indirect.gather.add.f32 [hbm:s8], $0x20, s19, s14, $0xb8;
	[tilespmem:$0xE800] =	vst v63  }
.LBB2_18:
0x117: {  	_ =	sfence.sel $0x180000  }
0x118: {  	[bflag:$0x0] =	sbarrier.arrive $0xFFFF  }
0x119: {  	_ =	strace $0x90000047  }
0x11a: {  	s0 =	stileid.u32;
	[bflag:$0x2] =	sbarrier.arrive $0xFFFF  }
0x11b: {  	p0 =	sne.s32 s0, $0x0;
	s0 =	rddreg [dreg:$0x3]  }
0x11c: {  	s0 =	sadd.s32 @!p0 $0x100000, s0  }
0x11d: {  	[sflag:s0] =	ssyncadd.tile.s32 @!p0 $0x1;
	_ =	shalt  }
.Lfunc_end2:
_tile_overlayer_lowered:
.L_overlay_start_2:
0x11e: {  	(tag) =	ssettag $0x2  }
0x11f: {  	s0 =	rddreg [dreg:$0x0];
	s2 =	stileid.u32  }
0x120: {  	s1 =	rddreg [dreg:$0x1];
	p0 =	sne.s32 s2, $0x0  }
0x121: {  	s3 =	rddreg [dreg:$0x2];
	[bflag:$0x3] =	sbarrier.arrive $0xFFFF;
	s2 =	simm.s32 @!p0 $0x1C05  }
0x122: {  	[timem:s3], [sflag:s2] =	dma.local @!p0 [hbm:s0], s1  }
0x123: {  	s0 =	simm.s32 @!p0 $0x5  }
0x124: {  	_ =	swait.ge @!p0 [sflag:s0], s1  }
0x125: {  	s1 =	ssub.s32 @!p0 $0x0, s1;
	[sflag:s0] =	ssyncset.done @!p0 $0x0  }
0x126: {  	[sflag:s0] =	ssyncadd.s32 @!p0 s1  }
0x127: {  	[bflag:$0x3] =	sbarrier.arrive $0xFFFF  }
0x128: {  	_ =	shalt  }

</sc_bundles>
